<compile_context>
chip_gen: v7x
topology: tpu7x:2x2x1
jax: 0.10.2.dev20260603
libtpu: 0.0.44.dev20260713+nightly
codegen_flags: <defaults>
</compile_context>

<pallas_src>
import functools

import jax
import jax.numpy as jnp
import numpy as np
from jax import lax
from jax.experimental import pallas as pl
from jax.experimental.pallas import tpu as pltpu
from jax.experimental.pallas import tpu_sc as plsc

MAX_LENGTH = 2378
LATENT_SAMPLES = 1600
POS_EMB_DIM = 512
OUTPUT_DIM = 1536
EMBED_DIM = 1024
BATCH = 64

TT = 256
NT_DATA = (LATENT_SAMPLES + TT - 1) // TT
NT = (MAX_LENGTH + TT - 1) // TT
T_PAD = NT * TT
TP_ROWS = NT_DATA * TT

ZR = 64
ZTOP = (NT - 1) * TT
ZCP = (ZTOP - TP_ROWS) // ZR
ZSLOTS = BATCH * ZCP

NW = 32
HALF = BATCH // 2
ROWS = HALF * LATENT_SAMPLES
CH = 80
CPB = LATENT_SAMPLES // CH
SLOTS = HALF * CPB
SPW = SLOTS // NW


def _sinusoidal_pe(seq_length, embedding_dim):
    position = np.arange(seq_length, dtype=np.float32)[:, None]
    div_term = np.exp(
        np.arange(0, embedding_dim, 2, dtype=np.float32)
        * (-np.log(10000.0) / embedding_dim))
    pe = np.zeros((seq_length, embedding_dim), dtype=np.float32)
    pe[:, 0::2] = np.sin(position * div_term)
    pe[:, 1::2] = np.cos(position * div_term)
    return pe


_PE_PAD = _sinusoidal_pe(MAX_LENGTH, POS_EMB_DIM)[:TP_ROWS]


def _sc_gather_body(vq_hbm, codes_hbm, sizes_hbm, out_hbm,
                    idx_v, buf, sizes_v, sem):
    c = lax.axis_index("c")
    s = lax.axis_index("s")
    wid = s * 2 + c
    pltpu.sync_copy(sizes_hbm, sizes_v.at[pl.ds(0, HALF)])

    def body(j, carry):
        g = wid + j * NW
        b = g // CPB
        ch = g - b * CPB
        size_b = sizes_v[pl.ds(b, 16)][0]

        @pl.when(ch * CH < size_b)
        def _():
            off = b * LATENT_SAMPLES + ch * CH
            pltpu.sync_copy(codes_hbm.at[pl.ds(off, CH)], idx_v)
            pltpu.async_copy(vq_hbm.at[idx_v], buf, sem).wait()
            pltpu.sync_copy(buf, out_hbm.at[pl.ds(off, CH)])

        return carry

    lax.fori_loop(0, SPW, body, 0)


def _sc_gather(vq, codes_flat, sizes):
    mesh = plsc.VectorSubcoreMesh(core_axis_name="c", subcore_axis_name="s")
    k = functools.partial(
        pl.kernel,
        out_type=jax.ShapeDtypeStruct((ROWS, EMBED_DIM), jnp.float32),
        mesh=mesh,
        scratch_types=[
            pltpu.VMEM((CH,), jnp.int32),
            pltpu.VMEM((CH, EMBED_DIM), jnp.float32),
            pltpu.VMEM((HALF + 16,), jnp.int32),
            pltpu.SemaphoreType.DMA,
        ],
    )(_sc_gather_body)
    return k(vq, codes_flat, sizes)


def _sc_zerofill_body(zrows_hbm, out_hbm, zbuf, sem):
    c = lax.axis_index("c")
    s = lax.axis_index("s")
    wid = s * 2 + c
    pltpu.sync_copy(zrows_hbm, zbuf)

    def body(j, carry):
        g = wid + j * NW
        b = g // ZCP
        k = g - b * ZCP
        row = TP_ROWS + k * ZR
        pltpu.sync_copy(zbuf, out_hbm.at[b, pl.ds(row, ZR)])
        return carry

    lax.fori_loop(0, ZSLOTS // NW, body, 0)


def _sc_zerofill(zrows):
    mesh = plsc.VectorSubcoreMesh(core_axis_name="c", subcore_axis_name="s")
    k = functools.partial(
        pl.kernel,
        out_type=jax.ShapeDtypeStruct((BATCH, MAX_LENGTH, OUTPUT_DIM),
                                      jnp.float32),
        mesh=mesh,
        scratch_types=[
            pltpu.VMEM((ZR, OUTPUT_DIM), jnp.float32),
            pltpu.SemaphoreType.DMA,
        ],
    )(_sc_zerofill_body)
    return k(zrows)


def _pe_proj_body(pe_ref, w2_ref, b_ref, out_ref):
    acc = jnp.dot(pe_ref[...], w2_ref[...], preferred_element_type=jnp.float32)
    out_ref[...] = acc + b_ref[...]


def _pe_proj(pe_bf, w2t_bf, b_proj):
    return pl.pallas_call(
        _pe_proj_body,
        grid=(NT_DATA,),
        in_specs=[
            pl.BlockSpec((TT, POS_EMB_DIM), lambda t: (t, 0)),
            pl.BlockSpec((POS_EMB_DIM, OUTPUT_DIM), lambda t: (0, 0)),
            pl.BlockSpec((1, OUTPUT_DIM), lambda t: (0, 0)),
        ],
        out_specs=pl.BlockSpec((TT, OUTPUT_DIM), lambda t: (t, 0)),
        out_shape=jax.ShapeDtypeStruct((TP_ROWS, OUTPUT_DIM), jnp.float32),
    )(pe_bf, w2t_bf, b_proj)


def _mask_body(sizes_ref, mask_ref):
    g = pl.program_id(0)
    pos = lax.broadcasted_iota(jnp.int32, (1, T_PAD), 1)
    for i in range(8):
        size = sizes_ref[g * 8 + i]
        mask_ref[pl.ds(i, 1), :] = (pos < size).astype(jnp.int32)


def _mask(sizes):
    grid_spec = pltpu.PrefetchScalarGridSpec(
        num_scalar_prefetch=1,
        grid=(BATCH // 8,),
        in_specs=[],
        out_specs=pl.BlockSpec((8, T_PAD), lambda g, sizes: (g, 0)),
    )
    return pl.pallas_call(
        _mask_body,
        grid_spec=grid_spec,
        out_shape=jax.ShapeDtypeStruct((BATCH, T_PAD), jnp.int32),
    )(sizes)


def _make_main_body(b_off):
    def _main_body(sizes_ref, emb_ref, w_ref, pe_ref, out_prev, out_ref):
        del out_prev
        b = pl.program_id(0)
        t = pl.program_id(1)
        size = sizes_ref[b + b_off]
        base = jnp.where(t == NT_DATA, (NT - 1) * TT, t * TT)

        @pl.when(base < size)
        def _():
            a = emb_ref[0].astype(jnp.bfloat16)
            acc = jnp.dot(a, w_ref[...], preferred_element_type=jnp.float32)
            acc = acc + pe_ref[pl.ds(base, TT), :]
            col_mask = base + lax.broadcasted_iota(jnp.int32, (TT, 1), 0) < size
            out_ref[0] = jnp.where(col_mask, acc, 0.0)

        @pl.when(base >= size)
        def _():
            out_ref[0] = jnp.zeros((TT, OUTPUT_DIM), jnp.float32)

    return _main_body


def _main_half(sizes, emb_g, w1t_bf, pe_proj, out_prev, b_off):
    def _clamp(b, t, sizes):
        return jnp.minimum(t, (sizes[b + b_off] + TT - 1) // TT - 1)

    grid_spec = pltpu.PrefetchScalarGridSpec(
        num_scalar_prefetch=1,
        grid=(HALF, NT_DATA + 1),
        in_specs=[
            pl.BlockSpec((1, TT, EMBED_DIM),
                         lambda b, t, sizes: (b, _clamp(b, t, sizes), 0)),
            pl.BlockSpec((EMBED_DIM, OUTPUT_DIM), lambda b, t, sizes: (0, 0)),
            pl.BlockSpec((TP_ROWS, OUTPUT_DIM), lambda b, t, sizes: (0, 0)),
            pl.BlockSpec(memory_space=pltpu.MemorySpace.HBM),
        ],
        out_specs=pl.BlockSpec(
            (1, TT, OUTPUT_DIM),
            lambda b, t, sizes: (
                b + b_off, jnp.where(t < NT_DATA, t, NT - 1), 0)),
    )
    return pl.pallas_call(
        _make_main_body(b_off),
        grid_spec=grid_spec,
        out_shape=jax.ShapeDtypeStruct((BATCH, MAX_LENGTH, OUTPUT_DIM),
                                       jnp.float32),
        input_output_aliases={4: 0},
        compiler_params=pltpu.CompilerParams(
            dimension_semantics=("parallel", "arbitrary")),
    )(sizes, emb_g, w1t_bf, pe_proj, out_prev)


def kernel(codes, latent_sizes, vq, W_proj, b_proj):
    codes_flat = codes.reshape(-1).astype(jnp.int32)
    sizes = latent_sizes.reshape(-1).astype(jnp.int32)

    pe_bf = jnp.asarray(_PE_PAD, dtype=jnp.bfloat16)
    w2t_bf = W_proj[:, EMBED_DIM:].T.astype(jnp.bfloat16)
    w1t_bf = W_proj[:, :EMBED_DIM].T.astype(jnp.bfloat16)
    b2d = b_proj.reshape(1, OUTPUT_DIM)

    codes_h = codes_flat.reshape(2, HALF * LATENT_SAMPLES)
    emb0 = _sc_gather(vq, codes_h[0], sizes[:HALF])
    emb1 = _sc_gather(vq, codes_h[1], sizes[HALF:])
    emb0 = emb0.reshape(HALF, LATENT_SAMPLES, EMBED_DIM)
    emb1 = emb1.reshape(HALF, LATENT_SAMPLES, EMBED_DIM)

    pe_proj = _pe_proj(pe_bf, w2t_bf, b2d)
    mask_i = _mask(sizes)
    zrows = jnp.zeros((ZR, OUTPUT_DIM), jnp.float32)
    out_init = _sc_zerofill(zrows)
    out0 = _main_half(sizes, emb0, w1t_bf, pe_proj, out_init, 0)
    out = _main_half(sizes, emb1, w1t_bf, pe_proj, out0, HALF)

    mask = mask_i[:, :MAX_LENGTH].astype(bool)
    return out, mask

# --- scband reference (transcript-rebuilt; emitter-appended) ---
"""Pipeline reference for scband-best-rqconditioner-85160611545226 (READ-ONLY COPY).

The authoritative reference and input builder live on the scoring server;
editing this copy changes nothing except your own understanding.
"""

import jax, jax.numpy as jnp
import numpy as np

MAX_LENGTH = 2378
LATENT_SAMPLES = 1600
POS_EMB_DIM = 512
OUTPUT_DIM = 1536
EMBED_DIM = 1024
VOCAB = 100000
BATCH = 64

def sinusoidal_pe(seq_length, embedding_dim):
    position = np.arange(seq_length, dtype=np.float32)[:, None]
    div_term = np.exp(np.arange(0, embedding_dim, 2, dtype=np.float32) * (-np.log(10000.0) / embedding_dim))
    pe = np.zeros((seq_length, embedding_dim), dtype=np.float32)
    pe[:, 0::2] = np.sin(position * div_term)
    pe[:, 1::2] = np.cos(position * div_term)
    return jnp.asarray(pe)[None]  # [1, L, D]

def setup_inputs(seed: int = 0) -> dict:
    key = jax.random.key(seed)
    k1, k2, k3, k4 = jax.random.split(key, 4)
    codes = jax.random.randint(k1, (BATCH, LATENT_SAMPLES), 0, VOCAB)
    latent_sizes = jax.random.randint(k4, (BATCH, 1), 1, LATENT_SAMPLES + 1)
    vq = jax.random.normal(k2, (VOCAB, EMBED_DIM), dtype=jnp.float32) * 0.02
    W_proj = jax.random.normal(k3, (OUTPUT_DIM, OUTPUT_DIM), dtype=jnp.float32) * 0.02
    b_proj = jnp.zeros((OUTPUT_DIM,), dtype=jnp.float32)
    return {"codes": codes, "latent_sizes": latent_sizes, "vq": vq, "W_proj": W_proj, "b_proj": b_proj}

def reference(codes, latent_sizes, vq, W_proj, b_proj):
    # embedding lookup on VQ codebook: F.embedding(codes, vq)
    emb = jnp.take(vq, codes, axis=0)  # [B, LATENT_SAMPLES, EMBED_DIM]
    # pad with zeros up to max_length (torch.cat with zeros tensor)
    pad = jnp.zeros((emb.shape[0], MAX_LENGTH - LATENT_SAMPLES, emb.shape[2]), dtype=emb.dtype)
    emb = jnp.concatenate([emb, pad], axis=1)  # [B, MAX_LENGTH, EMBED_DIM]
    # positional encoding, repeated over batch, concatenated on feature dim
    pe = sinusoidal_pe(MAX_LENGTH, POS_EMB_DIM)
    pe = jnp.broadcast_to(pe, (emb.shape[0], MAX_LENGTH, POS_EMB_DIM))
    emb = jnp.concatenate([emb, pe], axis=-1)  # [B, MAX_LENGTH, OUTPUT_DIM]
    # attention mask: True where position < latent_size (silence positions masked out)
    seq_range = jnp.arange(MAX_LENGTH)[None, :]
    attention_mask = seq_range < latent_sizes  # [B, MAX_LENGTH] bool
    # proj_out linear
    emb = emb @ W_proj.T + b_proj
    emb = emb * attention_mask[..., None].astype(emb.dtype)
    return emb, attention_mask

if __name__ == "__main__":
    import jax
    _d = setup_inputs()
    print(jax.jit(kernel)(*tuple(_d.values())))

</pallas_src>

<mosaic_0001>
#map = affine_map<(d0, d1) -> (0, 0)>
#map1 = affine_map<(d0, d1) -> (0)>
module attributes {stable_mosaic.version = 14 : i64} {
  func.func @_sc_gather_body(%arg0: i32, %arg1: i32, %arg2: memref<100000x1024xf32, #tpu.memory_space<hbm>>, %arg3: memref<51200xi32, #tpu.memory_space<hbm>>, %arg4: memref<32xi32, #tpu.memory_space<hbm>>, %arg5: memref<51200x1024xf32, #tpu.memory_space<hbm>>, %arg6: memref<80xi32, #tpu.memory_space<vmem>>, %arg7: memref<80x1024xf32, #tpu.memory_space<vmem>>, %arg8: memref<48xi32, #tpu.memory_space<vmem>>, %arg9: memref<!tpu.dma_semaphore, #tpu.memory_space<semaphore_mem>>) attributes {dimension_semantics = [#tpu.dimension_semantics<core_parallel>, #tpu.dimension_semantics<subcore_parallel>], iteration_bounds = array<i64: 2, 16>, scalar_prefetch = 0 : i64, scratch_operands = 4 : i64, tpu.core_type = #tpu.core_type<sc_vector_subcore>, window_params = [{transform_indices = #map}, {transform_indices = #map1}, {transform_indices = #map1}, {transform_indices = #map}]} {
    %mul3A = arith.constant 2 : i32
    %mul3A_0 = arith.muli %arg1, %mul3A : i32
    %add3A = arith.addi %mul3A_0, %arg0 : i32
    "tpu.region"() ({
      %run_scoped3A = tpu.sem_alloc : memref<!tpu.dma_semaphore, #tpu.memory_space<semaphore_mem>>
      %dma_start3A = arith.constant 0 : i32
      %dma_start3A_6 = tpu.memref_slice %arg8[%dma_start3A] : memref<48xi32, #tpu.memory_space<vmem>> -> memref<32xi32, #tpu.memory_space<vmem>>
      %dma_start3A_7 = arith.constant 0 : i32
      %dma_start3A_8 = tpu.memref_slice %arg8[%dma_start3A_7] : memref<48xi32, #tpu.memory_space<vmem>> -> memref<32xi32, #tpu.memory_space<vmem>>
      tpu.enqueue_dma source(%arg4 : memref<32xi32, #tpu.memory_space<hbm>>) target(%dma_start3A_8 : memref<32xi32, #tpu.memory_space<vmem>>) target_semaphore(%run_scoped3A : memref<!tpu.dma_semaphore, #tpu.memory_space<semaphore_mem>>)
      %dma_wait3A = arith.constant 0 : i32
      %dma_wait3A_9 = tpu.memref_slice %arg8[%dma_wait3A] : memref<48xi32, #tpu.memory_space<vmem>> -> memref<32xi32, #tpu.memory_space<vmem>>
      %dma_wait3A_10 = arith.constant 0 : i32
      %dma_wait3A_11 = tpu.memref_slice %arg8[%dma_wait3A_10] : memref<48xi32, #tpu.memory_space<vmem>> -> memref<32xi32, #tpu.memory_space<vmem>>
      tpu.wait_dma2 semaphore(%run_scoped3A : memref<!tpu.dma_semaphore, #tpu.memory_space<semaphore_mem>>) src(%arg4 : memref<32xi32, #tpu.memory_space<hbm>>) dst(%dma_wait3A_11 : memref<32xi32, #tpu.memory_space<vmem>>)
      tpu.yield
    }) : () -> ()
    %scan3A = arith.constant 0 : i32
    %scan3A_1 = arith.constant 0 : i32
    %scan3A_2 = arith.constant 20 : i32
    %scan3A_3 = arith.addi %scan3A_1, %scan3A_2 : i32
    %scan3A_4 = arith.constant 1 : i32
    scf.for %scan3A_6 = %scan3A_1 to %scan3A_3 step %scan3A_4  : i32 {
      %mul3A_7 = arith.constant 32 : i32
      %mul3A_8 = arith.muli %scan3A_6, %mul3A_7 : i32
      %add3A_9 = arith.addi %add3A, %mul3A_8 : i32
      %jit3A = arith.constant 20 : i32
      %div3A = arith.divsi %add3A_9, %jit3A : i32
      %sign3A = arith.constant 0 : i32
      %sign3A_10 = arith.cmpi sgt, %add3A_9, %sign3A : i32
      %sign3A_11 = arith.extui %sign3A_10 : i1 to i32
      %sign3A_12 = arith.constant 0 : i32
      %sign3A_13 = arith.cmpi slt, %add3A_9, %sign3A_12 : i32
      %sign3A_14 = arith.extui %sign3A_13 : i1 to i32
      %sign3A_15 = arith.subi %sign3A_11, %sign3A_14 : i32
      %sign3A_16 = arith.constant 0 : i32
      %sign3A_17 = arith.cmpi sgt, %jit3A, %sign3A_16 : i32
      %sign3A_18 = arith.extui %sign3A_17 : i1 to i32
      %sign3A_19 = arith.constant 0 : i32
      %sign3A_20 = arith.cmpi slt, %jit3A, %sign3A_19 : i32
      %sign3A_21 = arith.extui %sign3A_20 : i1 to i32
      %sign3A_22 = arith.subi %sign3A_18, %sign3A_21 : i32
      %ne3A = arith.cmpi ne, %sign3A_15, %sign3A_22 : i32
      %rem3A = arith.remsi %add3A_9, %jit3A : i32
      %ne3A_23 = arith.constant 0 : i32
      %ne3A_24 = arith.cmpi ne, %rem3A, %ne3A_23 : i32
      %and3A = arith.andi %ne3A, %ne3A_24 : i1
      %sub3A = arith.constant 1 : i32
      %sub3A_25 = arith.subi %div3A, %sub3A : i32
      %select_n3A = arith.select %and3A, %sub3A_25, %div3A : i32
      %mul3A_26 = arith.constant 20 : i32
      %mul3A_27 = arith.muli %select_n3A, %mul3A_26 : i32
      %sub3A_28 = arith.subi %add3A_9, %mul3A_27 : i32
      %get3A = arith.index_cast %select_n3A : i32 to index
      %get3A_29 = tpu.vector_load %arg8[%get3A] {strides = array<i32>} : memref<48xi32, #tpu.memory_space<vmem>>, vector<16xi32>,
      %get3A_30 = vector.shape_cast %get3A_29 : vector<16xi32> to vector<16xi32>
      %slice3A = vector.extract_strided_slice %get3A_30 {offsets = [0], sizes = [1], strides = [1]} : vector<16xi32> to vector<1xi32>
      %squeeze3A = vector.extract %slice3A[0] : i32 from vector<1xi32>
      %mul3A_31 = arith.constant 80 : i32
      %mul3A_32 = arith.muli %sub3A_28, %mul3A_31 : i32
      %lt3A = arith.cmpi slt, %mul3A_32, %squeeze3A : i32
      %convert_element_type3A = arith.extui %lt3A : i1 to i32
      %cond3A = arith.constant 0 : i32
      %cond3A_33 = arith.cmpi ne, %convert_element_type3A, %cond3A : i32
      scf.if %cond3A_33 {
        %mul3A_34 = arith.constant 1600 : i32
        %mul3A_35 = arith.muli %select_n3A, %mul3A_34 : i32
        %mul3A_36 = arith.constant 80 : i32
        %mul3A_37 = arith.muli %sub3A_28, %mul3A_36 : i32
        %add3A_38 = arith.addi %mul3A_35, %mul3A_37 : i32
        "tpu.region"() ({
          %run_scoped3A = tpu.sem_alloc : memref<!tpu.dma_semaphore, #tpu.memory_space<semaphore_mem>>
          %dma_start3A_43 = tpu.memref_slice %arg3[%add3A_38] : memref<51200xi32, #tpu.memory_space<hbm>> -> memref<80xi32, #tpu.memory_space<hbm>>
          %dma_start3A_44 = tpu.memref_slice %arg3[%add3A_38] : memref<51200xi32, #tpu.memory_space<hbm>> -> memref<80xi32, #tpu.memory_space<hbm>>
          tpu.enqueue_dma source(%dma_start3A_44 : memref<80xi32, #tpu.memory_space<hbm>>) target(%arg6 : memref<80xi32, #tpu.memory_space<vmem>>) target_semaphore(%run_scoped3A : memref<!tpu.dma_semaphore, #tpu.memory_space<semaphore_mem>>)
          %dma_wait3A_45 = tpu.memref_slice %arg3[%add3A_38] : memref<51200xi32, #tpu.memory_space<hbm>> -> memref<80xi32, #tpu.memory_space<hbm>>
          %dma_wait3A_46 = tpu.memref_slice %arg3[%add3A_38] : memref<51200xi32, #tpu.memory_space<hbm>> -> memref<80xi32, #tpu.memory_space<hbm>>
          tpu.wait_dma2 semaphore(%run_scoped3A : memref<!tpu.dma_semaphore, #tpu.memory_space<semaphore_mem>>) src(%dma_wait3A_46 : memref<80xi32, #tpu.memory_space<hbm>>) dst(%arg6 : memref<80xi32, #tpu.memory_space<vmem>>)
          tpu.yield
        }) : () -> ()
        %dma_start3A = arith.constant 0 : i32
        %dma_start3A_39 = arith.constant 0 : i32
        %dma_start3A_40 = tpu.memref_slice %arg2[%dma_start3A, %dma_start3A_39] : memref<100000x1024xf32, #tpu.memory_space<hbm>> -> memref<100000x1024xf32, #tpu.memory_space<hbm>>
        tpu.enqueue_indirect_dma source(%dma_start3A_40 : memref<100000x1024xf32, #tpu.memory_space<hbm>>) target(%arg7 : memref<80x1024xf32, #tpu.memory_space<vmem>>) offsets(%arg6 : memref<80xi32, #tpu.memory_space<vmem>>) semaphore(%arg9 : memref<!tpu.dma_semaphore, #tpu.memory_space<semaphore_mem>>)
        %dma_wait3A = arith.constant 0 : i32
        %dma_wait3A_41 = arith.constant 0 : i32
        %dma_wait3A_42 = tpu.memref_slice %arg2[%dma_wait3A, %dma_wait3A_41] : memref<100000x1024xf32, #tpu.memory_space<hbm>> -> memref<100000x1024xf32, #tpu.memory_space<hbm>>
        tpu.wait_indirect_dma semaphore(%arg9 : memref<!tpu.dma_semaphore, #tpu.memory_space<semaphore_mem>>) src(%dma_wait3A_42 : memref<100000x1024xf32, #tpu.memory_space<hbm>>) dst(%arg7 : memref<80x1024xf32, #tpu.memory_space<vmem>>)
        "tpu.region"() ({
          %run_scoped3A = tpu.sem_alloc : memref<!tpu.dma_semaphore, #tpu.memory_space<semaphore_mem>>
          %dma_start3A_43 = arith.constant 0 : i32
          %dma_start3A_44 = tpu.memref_slice %arg5[%add3A_38, %dma_start3A_43] : memref<51200x1024xf32, #tpu.memory_space<hbm>> -> memref<80x1024xf32, #tpu.memory_space<hbm>>
          %dma_start3A_45 = arith.constant 0 : i32
          %dma_start3A_46 = tpu.memref_slice %arg5[%add3A_38, %dma_start3A_45] : memref<51200x1024xf32, #tpu.memory_space<hbm>> -> memref<80x1024xf32, #tpu.memory_space<hbm>>
          tpu.enqueue_dma source(%arg7 : memref<80x1024xf32, #tpu.memory_space<vmem>>) target(%dma_start3A_46 : memref<80x1024xf32, #tpu.memory_space<hbm>>) target_semaphore(%run_scoped3A : memref<!tpu.dma_semaphore, #tpu.memory_space<semaphore_mem>>)
          %dma_wait3A_47 = arith.constant 0 : i32
          %dma_wait3A_48 = tpu.memref_slice %arg5[%add3A_38, %dma_wait3A_47] : memref<51200x1024xf32, #tpu.memory_space<hbm>> -> memref<80x1024xf32, #tpu.memory_space<hbm>>
          %dma_wait3A_49 = arith.constant 0 : i32
          %dma_wait3A_50 = tpu.memref_slice %arg5[%add3A_38, %dma_wait3A_49] : memref<51200x1024xf32, #tpu.memory_space<hbm>> -> memref<80x1024xf32, #tpu.memory_space<hbm>>
          tpu.wait_dma2 semaphore(%run_scoped3A : memref<!tpu.dma_semaphore, #tpu.memory_space<semaphore_mem>>) src(%arg7 : memref<80x1024xf32, #tpu.memory_space<vmem>>) dst(%dma_wait3A_50 : memref<80x1024xf32, #tpu.memory_space<hbm>>)
          tpu.yield
        }) : () -> ()
      } else {
      }
    }
    %scan3A_5 = arith.constant 20 : i32
    return
  }
}

#map = affine_map<(d0, d1) -> (0, 0)>
#map1 = affine_map<(d0, d1) -> (0, 0, 0)>
module attributes {stable_mosaic.version = 14 : i64} {
  func.func @_sc_zerofill_body(%arg0: i32, %arg1: i32, %arg2: memref<64x1536xf32, #tpu.memory_space<hbm>>, %arg3: memref<64x2378x1536xf32, #tpu.memory_space<hbm>>, %arg4: memref<64x1536xf32, #tpu.memory_space<vmem>>, %arg5: memref<!tpu.dma_semaphore, #tpu.memory_space<semaphore_mem>>) attributes {dimension_semantics = [#tpu.dimension_semantics<core_parallel>, #tpu.dimension_semantics<subcore_parallel>], iteration_bounds = array<i64: 2, 16>, scalar_prefetch = 0 : i64, scratch_operands = 2 : i64, tpu.core_type = #tpu.core_type<sc_vector_subcore>, window_params = [{transform_indices = #map}, {transform_indices = #map1}]} {
    %mul3A = arith.constant 2 : i32
    %mul3A_0 = arith.muli %arg1, %mul3A : i32
    %add3A = arith.addi %mul3A_0, %arg0 : i32
    "tpu.region"() ({
      %run_scoped3A = tpu.sem_alloc : memref<!tpu.dma_semaphore, #tpu.memory_space<semaphore_mem>>
      tpu.enqueue_dma source(%arg2 : memref<64x1536xf32, #tpu.memory_space<hbm>>) target(%arg4 : memref<64x1536xf32, #tpu.memory_space<vmem>>) target_semaphore(%run_scoped3A : memref<!tpu.dma_semaphore, #tpu.memory_space<semaphore_mem>>)
      tpu.wait_dma2 semaphore(%run_scoped3A : memref<!tpu.dma_semaphore, #tpu.memory_space<semaphore_mem>>) src(%arg2 : memref<64x1536xf32, #tpu.memory_space<hbm>>) dst(%arg4 : memref<64x1536xf32, #tpu.memory_space<vmem>>)
      tpu.yield
    }) : () -> ()
    %scan3A = arith.constant 0 : i32
    %scan3A_1 = arith.constant 0 : i32
    %scan3A_2 = arith.constant 16 : i32
    %scan3A_3 = arith.addi %scan3A_1, %scan3A_2 : i32
    %scan3A_4 = arith.constant 1 : i32
    scf.for %scan3A_6 = %scan3A_1 to %scan3A_3 step %scan3A_4  : i32 {
      %mul3A_7 = arith.constant 32 : i32
      %mul3A_8 = arith.muli %scan3A_6, %mul3A_7 : i32
      %add3A_9 = arith.addi %add3A, %mul3A_8 : i32
      %jit3A = arith.constant 8 : i32
      %div3A = arith.divsi %add3A_9, %jit3A : i32
      %sign3A = arith.constant 0 : i32
      %sign3A_10 = arith.cmpi sgt, %add3A_9, %sign3A : i32
      %sign3A_11 = arith.extui %sign3A_10 : i1 to i32
      %sign3A_12 = arith.constant 0 : i32
      %sign3A_13 = arith.cmpi slt, %add3A_9, %sign3A_12 : i32
      %sign3A_14 = arith.extui %sign3A_13 : i1 to i32
      %sign3A_15 = arith.subi %sign3A_11, %sign3A_14 : i32
      %sign3A_16 = arith.constant 0 : i32
      %sign3A_17 = arith.cmpi sgt, %jit3A, %sign3A_16 : i32
      %sign3A_18 = arith.extui %sign3A_17 : i1 to i32
      %sign3A_19 = arith.constant 0 : i32
      %sign3A_20 = arith.cmpi slt, %jit3A, %sign3A_19 : i32
      %sign3A_21 = arith.extui %sign3A_20 : i1 to i32
      %sign3A_22 = arith.subi %sign3A_18, %sign3A_21 : i32
      %ne3A = arith.cmpi ne, %sign3A_15, %sign3A_22 : i32
      %rem3A = arith.remsi %add3A_9, %jit3A : i32
      %ne3A_23 = arith.constant 0 : i32
      %ne3A_24 = arith.cmpi ne, %rem3A, %ne3A_23 : i32
      %and3A = arith.andi %ne3A, %ne3A_24 : i1
      %sub3A = arith.constant 1 : i32
      %sub3A_25 = arith.subi %div3A, %sub3A : i32
      %select_n3A = arith.select %and3A, %sub3A_25, %div3A : i32
      %mul3A_26 = arith.constant 8 : i32
      %mul3A_27 = arith.muli %select_n3A, %mul3A_26 : i32
      %sub3A_28 = arith.subi %add3A_9, %mul3A_27 : i32
      %mul3A_29 = arith.constant 64 : i32
      %mul3A_30 = arith.muli %sub3A_28, %mul3A_29 : i32
      %add3A_31 = arith.constant 1792 : i32
      %add3A_32 = arith.addi %add3A_31, %mul3A_30 : i32
      "tpu.region"() ({
        %run_scoped3A = tpu.sem_alloc : memref<!tpu.dma_semaphore, #tpu.memory_space<semaphore_mem>>
        %dma_start3A = arith.constant 0 : i32
        %dma_start3A_33 = tpu.memref_slice %arg3[%select_n3A, %add3A_32, %dma_start3A] : memref<64x2378x1536xf32, #tpu.memory_space<hbm>> -> memref<1x64x1536xf32, #tpu.memory_space<hbm>>
        %dma_start3A_34 = tpu.memref_squeeze %dma_start3A_33 : memref<1x64x1536xf32, #tpu.memory_space<hbm>> -> memref<64x1536xf32, #tpu.memory_space<hbm>>
        %dma_start3A_35 = arith.constant 0 : i32
        %dma_start3A_36 = tpu.memref_slice %arg3[%select_n3A, %add3A_32, %dma_start3A_35] : memref<64x2378x1536xf32, #tpu.memory_space<hbm>> -> memref<1x64x1536xf32, #tpu.memory_space<hbm>>
        %dma_start3A_37 = tpu.memref_squeeze %dma_start3A_36 : memref<1x64x1536xf32, #tpu.memory_space<hbm>> -> memref<64x1536xf32, #tpu.memory_space<hbm>>
        tpu.enqueue_dma source(%arg4 : memref<64x1536xf32, #tpu.memory_space<vmem>>) target(%dma_start3A_37 : memref<64x1536xf32, #tpu.memory_space<hbm>>) target_semaphore(%run_scoped3A : memref<!tpu.dma_semaphore, #tpu.memory_space<semaphore_mem>>)
        %dma_wait3A = arith.constant 0 : i32
        %dma_wait3A_38 = tpu.memref_slice %arg3[%select_n3A, %add3A_32, %dma_wait3A] : memref<64x2378x1536xf32, #tpu.memory_space<hbm>> -> memref<1x64x1536xf32, #tpu.memory_space<hbm>>
        %dma_wait3A_39 = tpu.memref_squeeze %dma_wait3A_38 : memref<1x64x1536xf32, #tpu.memory_space<hbm>> -> memref<64x1536xf32, #tpu.memory_space<hbm>>
        %dma_wait3A_40 = arith.constant 0 : i32
        %dma_wait3A_41 = tpu.memref_slice %arg3[%select_n3A, %add3A_32, %dma_wait3A_40] : memref<64x2378x1536xf32, #tpu.memory_space<hbm>> -> memref<1x64x1536xf32, #tpu.memory_space<hbm>>
        %dma_wait3A_42 = tpu.memref_squeeze %dma_wait3A_41 : memref<1x64x1536xf32, #tpu.memory_space<hbm>> -> memref<64x1536xf32, #tpu.memory_space<hbm>>
        tpu.wait_dma2 semaphore(%run_scoped3A : memref<!tpu.dma_semaphore, #tpu.memory_space<semaphore_mem>>) src(%arg4 : memref<64x1536xf32, #tpu.memory_space<vmem>>) dst(%dma_wait3A_42 : memref<64x1536xf32, #tpu.memory_space<hbm>>)
        tpu.yield
      }) : () -> ()
    }
    %scan3A_5 = arith.constant 16 : i32
    return
  }
}

#map = affine_map<(d0, d1) -> (0, 0)>
#map1 = affine_map<(d0, d1) -> (0)>
module attributes {stable_mosaic.version = 14 : i64} {
  func.func @_sc_gather_body(%arg0: i32, %arg1: i32, %arg2: memref<100000x1024xf32, #tpu.memory_space<hbm>>, %arg3: memref<51200xi32, #tpu.memory_space<hbm>>, %arg4: memref<32xi32, #tpu.memory_space<hbm>>, %arg5: memref<51200x1024xf32, #tpu.memory_space<hbm>>, %arg6: memref<80xi32, #tpu.memory_space<vmem>>, %arg7: memref<80x1024xf32, #tpu.memory_space<vmem>>, %arg8: memref<48xi32, #tpu.memory_space<vmem>>, %arg9: memref<!tpu.dma_semaphore, #tpu.memory_space<semaphore_mem>>) attributes {dimension_semantics = [#tpu.dimension_semantics<core_parallel>, #tpu.dimension_semantics<subcore_parallel>], iteration_bounds = array<i64: 2, 16>, scalar_prefetch = 0 : i64, scratch_operands = 4 : i64, tpu.core_type = #tpu.core_type<sc_vector_subcore>, window_params = [{transform_indices = #map}, {transform_indices = #map1}, {transform_indices = #map1}, {transform_indices = #map}]} {
    %mul3A = arith.constant 2 : i32
    %mul3A_0 = arith.muli %arg1, %mul3A : i32
    %add3A = arith.addi %mul3A_0, %arg0 : i32
    "tpu.region"() ({
      %run_scoped3A = tpu.sem_alloc : memref<!tpu.dma_semaphore, #tpu.memory_space<semaphore_mem>>
      %dma_start3A = arith.constant 0 : i32
      %dma_start3A_6 = tpu.memref_slice %arg8[%dma_start3A] : memref<48xi32, #tpu.memory_space<vmem>> -> memref<32xi32, #tpu.memory_space<vmem>>
      %dma_start3A_7 = arith.constant 0 : i32
      %dma_start3A_8 = tpu.memref_slice %arg8[%dma_start3A_7] : memref<48xi32, #tpu.memory_space<vmem>> -> memref<32xi32, #tpu.memory_space<vmem>>
      tpu.enqueue_dma source(%arg4 : memref<32xi32, #tpu.memory_space<hbm>>) target(%dma_start3A_8 : memref<32xi32, #tpu.memory_space<vmem>>) target_semaphore(%run_scoped3A : memref<!tpu.dma_semaphore, #tpu.memory_space<semaphore_mem>>)
      %dma_wait3A = arith.constant 0 : i32
      %dma_wait3A_9 = tpu.memref_slice %arg8[%dma_wait3A] : memref<48xi32, #tpu.memory_space<vmem>> -> memref<32xi32, #tpu.memory_space<vmem>>
      %dma_wait3A_10 = arith.constant 0 : i32
      %dma_wait3A_11 = tpu.memref_slice %arg8[%dma_wait3A_10] : memref<48xi32, #tpu.memory_space<vmem>> -> memref<32xi32, #tpu.memory_space<vmem>>
      tpu.wait_dma2 semaphore(%run_scoped3A : memref<!tpu.dma_semaphore, #tpu.memory_space<semaphore_mem>>) src(%arg4 : memref<32xi32, #tpu.memory_space<hbm>>) dst(%dma_wait3A_11 : memref<32xi32, #tpu.memory_space<vmem>>)
      tpu.yield
    }) : () -> ()
    %scan3A = arith.constant 0 : i32
    %scan3A_1 = arith.constant 0 : i32
    %scan3A_2 = arith.constant 20 : i32
    %scan3A_3 = arith.addi %scan3A_1, %scan3A_2 : i32
    %scan3A_4 = arith.constant 1 : i32
    scf.for %scan3A_6 = %scan3A_1 to %scan3A_3 step %scan3A_4  : i32 {
      %mul3A_7 = arith.constant 32 : i32
      %mul3A_8 = arith.muli %scan3A_6, %mul3A_7 : i32
      %add3A_9 = arith.addi %add3A, %mul3A_8 : i32
      %jit3A = arith.constant 20 : i32
      %div3A = arith.divsi %add3A_9, %jit3A : i32
      %sign3A = arith.constant 0 : i32
      %sign3A_10 = arith.cmpi sgt, %add3A_9, %sign3A : i32
      %sign3A_11 = arith.extui %sign3A_10 : i1 to i32
      %sign3A_12 = arith.constant 0 : i32
      %sign3A_13 = arith.cmpi slt, %add3A_9, %sign3A_12 : i32
      %sign3A_14 = arith.extui %sign3A_13 : i1 to i32
      %sign3A_15 = arith.subi %sign3A_11, %sign3A_14 : i32
      %sign3A_16 = arith.constant 0 : i32
      %sign3A_17 = arith.cmpi sgt, %jit3A, %sign3A_16 : i32
      %sign3A_18 = arith.extui %sign3A_17 : i1 to i32
      %sign3A_19 = arith.constant 0 : i32
      %sign3A_20 = arith.cmpi slt, %jit3A, %sign3A_19 : i32
      %sign3A_21 = arith.extui %sign3A_20 : i1 to i32
      %sign3A_22 = arith.subi %sign3A_18, %sign3A_21 : i32
      %ne3A = arith.cmpi ne, %sign3A_15, %sign3A_22 : i32
      %rem3A = arith.remsi %add3A_9, %jit3A : i32
      %ne3A_23 = arith.constant 0 : i32
      %ne3A_24 = arith.cmpi ne, %rem3A, %ne3A_23 : i32
      %and3A = arith.andi %ne3A, %ne3A_24 : i1
      %sub3A = arith.constant 1 : i32
      %sub3A_25 = arith.subi %div3A, %sub3A : i32
      %select_n3A = arith.select %and3A, %sub3A_25, %div3A : i32
      %mul3A_26 = arith.constant 20 : i32
      %mul3A_27 = arith.muli %select_n3A, %mul3A_26 : i32
      %sub3A_28 = arith.subi %add3A_9, %mul3A_27 : i32
      %get3A = arith.index_cast %select_n3A : i32 to index
      %get3A_29 = tpu.vector_load %arg8[%get3A] {strides = array<i32>} : memref<48xi32, #tpu.memory_space<vmem>>, vector<16xi32>,
      %get3A_30 = vector.shape_cast %get3A_29 : vector<16xi32> to vector<16xi32>
      %slice3A = vector.extract_strided_slice %get3A_30 {offsets = [0], sizes = [1], strides = [1]} : vector<16xi32> to vector<1xi32>
      %squeeze3A = vector.extract %slice3A[0] : i32 from vector<1xi32>
      %mul3A_31 = arith.constant 80 : i32
      %mul3A_32 = arith.muli %sub3A_28, %mul3A_31 : i32
      %lt3A = arith.cmpi slt, %mul3A_32, %squeeze3A : i32
      %convert_element_type3A = arith.extui %lt3A : i1 to i32
      %cond3A = arith.constant 0 : i32
      %cond3A_33 = arith.cmpi ne, %convert_element_type3A, %cond3A : i32
      scf.if %cond3A_33 {
        %mul3A_34 = arith.constant 1600 : i32
        %mul3A_35 = arith.muli %select_n3A, %mul3A_34 : i32
        %mul3A_36 = arith.constant 80 : i32
        %mul3A_37 = arith.muli %sub3A_28, %mul3A_36 : i32
        %add3A_38 = arith.addi %mul3A_35, %mul3A_37 : i32
        "tpu.region"() ({
          %run_scoped3A = tpu.sem_alloc : memref<!tpu.dma_semaphore, #tpu.memory_space<semaphore_mem>>
          %dma_start3A_43 = tpu.memref_slice %arg3[%add3A_38] : memref<51200xi32, #tpu.memory_space<hbm>> -> memref<80xi32, #tpu.memory_space<hbm>>
          %dma_start3A_44 = tpu.memref_slice %arg3[%add3A_38] : memref<51200xi32, #tpu.memory_space<hbm>> -> memref<80xi32, #tpu.memory_space<hbm>>
          tpu.enqueue_dma source(%dma_start3A_44 : memref<80xi32, #tpu.memory_space<hbm>>) target(%arg6 : memref<80xi32, #tpu.memory_space<vmem>>) target_semaphore(%run_scoped3A : memref<!tpu.dma_semaphore, #tpu.memory_space<semaphore_mem>>)
          %dma_wait3A_45 = tpu.memref_slice %arg3[%add3A_38] : memref<51200xi32, #tpu.memory_space<hbm>> -> memref<80xi32, #tpu.memory_space<hbm>>
          %dma_wait3A_46 = tpu.memref_slice %arg3[%add3A_38] : memref<51200xi32, #tpu.memory_space<hbm>> -> memref<80xi32, #tpu.memory_space<hbm>>
          tpu.wait_dma2 semaphore(%run_scoped3A : memref<!tpu.dma_semaphore, #tpu.memory_space<semaphore_mem>>) src(%dma_wait3A_46 : memref<80xi32, #tpu.memory_space<hbm>>) dst(%arg6 : memref<80xi32, #tpu.memory_space<vmem>>)
          tpu.yield
        }) : () -> ()
        %dma_start3A = arith.constant 0 : i32
        %dma_start3A_39 = arith.constant 0 : i32
        %dma_start3A_40 = tpu.memref_slice %arg2[%dma_start3A, %dma_start3A_39] : memref<100000x1024xf32, #tpu.memory_space<hbm>> -> memref<100000x1024xf32, #tpu.memory_space<hbm>>
        tpu.enqueue_indirect_dma source(%dma_start3A_40 : memref<100000x1024xf32, #tpu.memory_space<hbm>>) target(%arg7 : memref<80x1024xf32, #tpu.memory_space<vmem>>) offsets(%arg6 : memref<80xi32, #tpu.memory_space<vmem>>) semaphore(%arg9 : memref<!tpu.dma_semaphore, #tpu.memory_space<semaphore_mem>>)
        %dma_wait3A = arith.constant 0 : i32
        %dma_wait3A_41 = arith.constant 0 : i32
        %dma_wait3A_42 = tpu.memref_slice %arg2[%dma_wait3A, %dma_wait3A_41] : memref<100000x1024xf32, #tpu.memory_space<hbm>> -> memref<100000x1024xf32, #tpu.memory_space<hbm>>
        tpu.wait_indirect_dma semaphore(%arg9 : memref<!tpu.dma_semaphore, #tpu.memory_space<semaphore_mem>>) src(%dma_wait3A_42 : memref<100000x1024xf32, #tpu.memory_space<hbm>>) dst(%arg7 : memref<80x1024xf32, #tpu.memory_space<vmem>>)
        "tpu.region"() ({
          %run_scoped3A = tpu.sem_alloc : memref<!tpu.dma_semaphore, #tpu.memory_space<semaphore_mem>>
          %dma_start3A_43 = arith.constant 0 : i32
          %dma_start3A_44 = tpu.memref_slice %arg5[%add3A_38, %dma_start3A_43] : memref<51200x1024xf32, #tpu.memory_space<hbm>> -> memref<80x1024xf32, #tpu.memory_space<hbm>>
          %dma_start3A_45 = arith.constant 0 : i32
          %dma_start3A_46 = tpu.memref_slice %arg5[%add3A_38, %dma_start3A_45] : memref<51200x1024xf32, #tpu.memory_space<hbm>> -> memref<80x1024xf32, #tpu.memory_space<hbm>>
          tpu.enqueue_dma source(%arg7 : memref<80x1024xf32, #tpu.memory_space<vmem>>) target(%dma_start3A_46 : memref<80x1024xf32, #tpu.memory_space<hbm>>) target_semaphore(%run_scoped3A : memref<!tpu.dma_semaphore, #tpu.memory_space<semaphore_mem>>)
          %dma_wait3A_47 = arith.constant 0 : i32
          %dma_wait3A_48 = tpu.memref_slice %arg5[%add3A_38, %dma_wait3A_47] : memref<51200x1024xf32, #tpu.memory_space<hbm>> -> memref<80x1024xf32, #tpu.memory_space<hbm>>
          %dma_wait3A_49 = arith.constant 0 : i32
          %dma_wait3A_50 = tpu.memref_slice %arg5[%add3A_38, %dma_wait3A_49] : memref<51200x1024xf32, #tpu.memory_space<hbm>> -> memref<80x1024xf32, #tpu.memory_space<hbm>>
          tpu.wait_dma2 semaphore(%run_scoped3A : memref<!tpu.dma_semaphore, #tpu.memory_space<semaphore_mem>>) src(%arg7 : memref<80x1024xf32, #tpu.memory_space<vmem>>) dst(%dma_wait3A_50 : memref<80x1024xf32, #tpu.memory_space<hbm>>)
          tpu.yield
        }) : () -> ()
      } else {
      }
    }
    %scan3A_5 = arith.constant 20 : i32
    return
  }
}

module attributes {stable_mosaic.version = 14 : i64} {
  func.func @_mask_body(%arg0: i32, %arg1: memref<64xi32, #tpu.memory_space<smem>>, %arg2: memref<8x2560xi32, #tpu.memory_space<vmem>>) attributes {dimension_semantics = [#tpu.dimension_semantics<arbitrary>], iteration_bounds = array<i64: 8>, scalar_prefetch = 1 : i64, scratch_operands = 0 : i64, tpu.core_type = #tpu.core_type<tc>, window_params = [{transform_indices = @transform_0, window_bounds = array<i64: 8, 2560>}]} {
    %iota3A = tpu.iota {dimensions = array<i32: 1>} : vector<1x2560xi32>
    %mul3A = arith.constant 8 : i32
    %mul3A_0 = arith.muli %arg0, %mul3A : i32
    %add3A = arith.constant 0 : i32
    %add3A_1 = arith.addi %mul3A_0, %add3A : i32
    %get3A = arith.index_cast %add3A_1 : i32 to index
    %get3A_2 = memref.load %arg1[%get3A] : memref<64xi32, #tpu.memory_space<smem>>
    %lt3A = vector.broadcast %get3A_2 : i32 to vector<1x2560xi32>
    %lt3A_3 = arith.cmpi slt, %iota3A, %lt3A : vector<1x2560xi32>
    %convert_element_type3A = arith.extui %lt3A_3 : vector<1x2560xi1> to vector<1x2560xi32>
    %swap3A = arith.constant 0 : index
    %swap3A_4 = arith.constant 0 : index
    %swap3A_5 = vector.load %arg2[%swap3A, %swap3A_4] : memref<8x2560xi32, #tpu.memory_space<vmem>>, vector<1x2560xi32>
    tpu.vector_store %arg2[%swap3A, %swap3A_4], %convert_element_type3A {strides = array<i32>} : memref<8x2560xi32, #tpu.memory_space<vmem>>, vector<1x2560xi32>,
    %mul3A_6 = arith.constant 8 : i32
    %mul3A_7 = arith.muli %arg0, %mul3A_6 : i32
    %add3A_8 = arith.constant 1 : i32
    %add3A_9 = arith.addi %mul3A_7, %add3A_8 : i32
    %get3A_10 = arith.index_cast %add3A_9 : i32 to index
    %get3A_11 = memref.load %arg1[%get3A_10] : memref<64xi32, #tpu.memory_space<smem>>
    %lt3A_12 = vector.broadcast %get3A_11 : i32 to vector<1x2560xi32>
    %lt3A_13 = arith.cmpi slt, %iota3A, %lt3A_12 : vector<1x2560xi32>
    %convert_element_type3A_14 = arith.extui %lt3A_13 : vector<1x2560xi1> to vector<1x2560xi32>
    %swap3A_15 = arith.constant 1 : index
    %swap3A_16 = arith.constant 0 : index
    %swap3A_17 = vector.load %arg2[%swap3A_15, %swap3A_16] : memref<8x2560xi32, #tpu.memory_space<vmem>>, vector<1x2560xi32>
    tpu.vector_store %arg2[%swap3A_15, %swap3A_16], %convert_element_type3A_14 {strides = array<i32>} : memref<8x2560xi32, #tpu.memory_space<vmem>>, vector<1x2560xi32>,
    %mul3A_18 = arith.constant 8 : i32
    %mul3A_19 = arith.muli %arg0, %mul3A_18 : i32
    %add3A_20 = arith.constant 2 : i32
    %add3A_21 = arith.addi %mul3A_19, %add3A_20 : i32
    %get3A_22 = arith.index_cast %add3A_21 : i32 to index
    %get3A_23 = memref.load %arg1[%get3A_22] : memref<64xi32, #tpu.memory_space<smem>>
    %lt3A_24 = vector.broadcast %get3A_23 : i32 to vector<1x2560xi32>
    %lt3A_25 = arith.cmpi slt, %iota3A, %lt3A_24 : vector<1x2560xi32>
    %convert_element_type3A_26 = arith.extui %lt3A_25 : vector<1x2560xi1> to vector<1x2560xi32>
    %swap3A_27 = arith.constant 2 : index
    %swap3A_28 = arith.constant 0 : index
    %swap3A_29 = vector.load %arg2[%swap3A_27, %swap3A_28] : memref<8x2560xi32, #tpu.memory_space<vmem>>, vector<1x2560xi32>
    tpu.vector_store %arg2[%swap3A_27, %swap3A_28], %convert_element_type3A_26 {strides = array<i32>} : memref<8x2560xi32, #tpu.memory_space<vmem>>, vector<1x2560xi32>,
    %mul3A_30 = arith.constant 8 : i32
    %mul3A_31 = arith.muli %arg0, %mul3A_30 : i32
    %add3A_32 = arith.constant 3 : i32
    %add3A_33 = arith.addi %mul3A_31, %add3A_32 : i32
    %get3A_34 = arith.index_cast %add3A_33 : i32 to index
    %get3A_35 = memref.load %arg1[%get3A_34] : memref<64xi32, #tpu.memory_space<smem>>
    %lt3A_36 = vector.broadcast %get3A_35 : i32 to vector<1x2560xi32>
    %lt3A_37 = arith.cmpi slt, %iota3A, %lt3A_36 : vector<1x2560xi32>
    %convert_element_type3A_38 = arith.extui %lt3A_37 : vector<1x2560xi1> to vector<1x2560xi32>
    %swap3A_39 = arith.constant 3 : index
    %swap3A_40 = arith.constant 0 : index
    %swap3A_41 = vector.load %arg2[%swap3A_39, %swap3A_40] : memref<8x2560xi32, #tpu.memory_space<vmem>>, vector<1x2560xi32>
    tpu.vector_store %arg2[%swap3A_39, %swap3A_40], %convert_element_type3A_38 {strides = array<i32>} : memref<8x2560xi32, #tpu.memory_space<vmem>>, vector<1x2560xi32>,
    %mul3A_42 = arith.constant 8 : i32
    %mul3A_43 = arith.muli %arg0, %mul3A_42 : i32
    %add3A_44 = arith.constant 4 : i32
    %add3A_45 = arith.addi %mul3A_43, %add3A_44 : i32
    %get3A_46 = arith.index_cast %add3A_45 : i32 to index
    %get3A_47 = memref.load %arg1[%get3A_46] : memref<64xi32, #tpu.memory_space<smem>>
    %lt3A_48 = vector.broadcast %get3A_47 : i32 to vector<1x2560xi32>
    %lt3A_49 = arith.cmpi slt, %iota3A, %lt3A_48 : vector<1x2560xi32>
    %convert_element_type3A_50 = arith.extui %lt3A_49 : vector<1x2560xi1> to vector<1x2560xi32>
    %swap3A_51 = arith.constant 4 : index
    %swap3A_52 = arith.constant 0 : index
    %swap3A_53 = vector.load %arg2[%swap3A_51, %swap3A_52] : memref<8x2560xi32, #tpu.memory_space<vmem>>, vector<1x2560xi32>
    tpu.vector_store %arg2[%swap3A_51, %swap3A_52], %convert_element_type3A_50 {strides = array<i32>} : memref<8x2560xi32, #tpu.memory_space<vmem>>, vector<1x2560xi32>,
    %mul3A_54 = arith.constant 8 : i32
    %mul3A_55 = arith.muli %arg0, %mul3A_54 : i32
    %add3A_56 = arith.constant 5 : i32
    %add3A_57 = arith.addi %mul3A_55, %add3A_56 : i32
    %get3A_58 = arith.index_cast %add3A_57 : i32 to index
    %get3A_59 = memref.load %arg1[%get3A_58] : memref<64xi32, #tpu.memory_space<smem>>
    %lt3A_60 = vector.broadcast %get3A_59 : i32 to vector<1x2560xi32>
    %lt3A_61 = arith.cmpi slt, %iota3A, %lt3A_60 : vector<1x2560xi32>
    %convert_element_type3A_62 = arith.extui %lt3A_61 : vector<1x2560xi1> to vector<1x2560xi32>
    %swap3A_63 = arith.constant 5 : index
    %swap3A_64 = arith.constant 0 : index
    %swap3A_65 = vector.load %arg2[%swap3A_63, %swap3A_64] : memref<8x2560xi32, #tpu.memory_space<vmem>>, vector<1x2560xi32>
    tpu.vector_store %arg2[%swap3A_63, %swap3A_64], %convert_element_type3A_62 {strides = array<i32>} : memref<8x2560xi32, #tpu.memory_space<vmem>>, vector<1x2560xi32>,
    %mul3A_66 = arith.constant 8 : i32
    %mul3A_67 = arith.muli %arg0, %mul3A_66 : i32
    %add3A_68 = arith.constant 6 : i32
    %add3A_69 = arith.addi %mul3A_67, %add3A_68 : i32
    %get3A_70 = arith.index_cast %add3A_69 : i32 to index
    %get3A_71 = memref.load %arg1[%get3A_70] : memref<64xi32, #tpu.memory_space<smem>>
    %lt3A_72 = vector.broadcast %get3A_71 : i32 to vector<1x2560xi32>
    %lt3A_73 = arith.cmpi slt, %iota3A, %lt3A_72 : vector<1x2560xi32>
    %convert_element_type3A_74 = arith.extui %lt3A_73 : vector<1x2560xi1> to vector<1x2560xi32>
    %swap3A_75 = arith.constant 6 : index
    %swap3A_76 = arith.constant 0 : index
    %swap3A_77 = vector.load %arg2[%swap3A_75, %swap3A_76] : memref<8x2560xi32, #tpu.memory_space<vmem>>, vector<1x2560xi32>
    tpu.vector_store %arg2[%swap3A_75, %swap3A_76], %convert_element_type3A_74 {strides = array<i32>} : memref<8x2560xi32, #tpu.memory_space<vmem>>, vector<1x2560xi32>,
    %mul3A_78 = arith.constant 8 : i32
    %mul3A_79 = arith.muli %arg0, %mul3A_78 : i32
    %add3A_80 = arith.constant 7 : i32
    %add3A_81 = arith.addi %mul3A_79, %add3A_80 : i32
    %get3A_82 = arith.index_cast %add3A_81 : i32 to index
    %get3A_83 = memref.load %arg1[%get3A_82] : memref<64xi32, #tpu.memory_space<smem>>
    %lt3A_84 = vector.broadcast %get3A_83 : i32 to vector<1x2560xi32>
    %lt3A_85 = arith.cmpi slt, %iota3A, %lt3A_84 : vector<1x2560xi32>
    %convert_element_type3A_86 = arith.extui %lt3A_85 : vector<1x2560xi1> to vector<1x2560xi32>
    %swap3A_87 = arith.constant 7 : index
    %swap3A_88 = arith.constant 0 : index
    %swap3A_89 = vector.load %arg2[%swap3A_87, %swap3A_88] : memref<8x2560xi32, #tpu.memory_space<vmem>>, vector<1x2560xi32>
    tpu.vector_store %arg2[%swap3A_87, %swap3A_88], %convert_element_type3A_86 {strides = array<i32>} : memref<8x2560xi32, #tpu.memory_space<vmem>>, vector<1x2560xi32>,
    return
  }
  func.func @transform_0(%arg0: i32, %arg1: memref<64xi32, #tpu.memory_space<smem>>) -> (i32, i32) {
    %c0_i32 = arith.constant 0 : i32
    %c0_i32_0 = arith.constant 0 : i32
    return %arg0, %c0_i32 : i32, i32
  }
}

module attributes {stable_mosaic.version = 14 : i64} {
  func.func @_pe_proj_body(%arg0: i32, %arg1: memref<256x512xbf16, #tpu.memory_space<vmem>>, %arg2: memref<512x1536xbf16, #tpu.memory_space<vmem>>, %arg3: memref<1x1536xf32, #tpu.memory_space<vmem>>, %arg4: memref<256x1536xf32, #tpu.memory_space<vmem>>) attributes {dimension_semantics = [#tpu.dimension_semantics<arbitrary>], iteration_bounds = array<i64: 7>, scalar_prefetch = 0 : i64, scratch_operands = 0 : i64, tpu.core_type = #tpu.core_type<tc>, window_params = [{transform_indices = @transform_0, window_bounds = array<i64: 256, 512>}, {pipeline_mode = #tpu.pipeline_mode<synchronous>, transform_indices = @transform_1, window_bounds = array<i64: 512, 1536>}, {pipeline_mode = #tpu.pipeline_mode<synchronous>, transform_indices = @transform_2, window_bounds = array<i64: 1, 1536>}, {transform_indices = @transform_3, window_bounds = array<i64: 256, 1536>}]} {
    %get3A = arith.constant 0 : index
    %get3A_0 = arith.constant 0 : index
    %get3A_1 = vector.load %arg1[%get3A, %get3A_0] : memref<256x512xbf16, #tpu.memory_space<vmem>>, vector<256x512xbf16>
    %get3A_2 = arith.constant 0 : index
    %get3A_3 = arith.constant 0 : index
    %get3A_4 = vector.load %arg2[%get3A_2, %get3A_3] : memref<512x1536xbf16, #tpu.memory_space<vmem>>, vector<512x1536xbf16>
    %dot_general3A = arith.constant dense<0.000000e+00> : vector<256x1536xf32>
    %dot_general3A_5 = tpu.matmul %get3A_1, %get3A_4, %dot_general3A {dimension_numbers = #tpu.dot_dimension_numbers<[1], [0], [0], [1], [0, 0, 1, 1], [], []>, transpose_lhs_hint = false} : vector<256x512xbf16>, vector<512x1536xbf16>, vector<256x1536xf32> -> vector<256x1536xf32>
    %get3A_6 = arith.constant 0 : index
    %get3A_7 = arith.constant 0 : index
    %get3A_8 = vector.load %arg3[%get3A_6, %get3A_7] : memref<1x1536xf32, #tpu.memory_space<vmem>>, vector<1x1536xf32>
    %add3A = vector.broadcast %get3A_8 : vector<1x1536xf32> to vector<256x1536xf32>
    %add3A_9 = arith.addf %dot_general3A_5, %add3A : vector<256x1536xf32>
    %swap3A = arith.constant 0 : index
    %swap3A_10 = arith.constant 0 : index
    %swap3A_11 = vector.load %arg4[%swap3A, %swap3A_10] : memref<256x1536xf32, #tpu.memory_space<vmem>>, vector<256x1536xf32>
    tpu.vector_store %arg4[%swap3A, %swap3A_10], %add3A_9 {strides = array<i32>} : memref<256x1536xf32, #tpu.memory_space<vmem>>, vector<256x1536xf32>,
    return
  }
  func.func @transform_0(%arg0: i32) -> (i32, i32) {
    %c0_i32 = arith.constant 0 : i32
    %c0_i32_0 = arith.constant 0 : i32
    return %arg0, %c0_i32 : i32, i32
  }
  func.func @transform_1(%arg0: i32) -> (i32, i32) {
    %c0_i32 = arith.constant 0 : i32
    %c0_i32_0 = arith.constant 0 : i32
    %c0_i32_1 = arith.constant 0 : i32
    return %c0_i32, %c0_i32_0 : i32, i32
  }
  func.func @transform_2(%arg0: i32) -> (i32, i32) {
    %c0_i32 = arith.constant 0 : i32
    %c0_i32_0 = arith.constant 0 : i32
    %c0_i32_1 = arith.constant 0 : i32
    return %c0_i32, %c0_i32_0 : i32, i32
  }
  func.func @transform_3(%arg0: i32) -> (i32, i32) {
    %c0_i32 = arith.constant 0 : i32
    %c0_i32_0 = arith.constant 0 : i32
    return %arg0, %c0_i32 : i32, i32
  }
}

module attributes {stable_mosaic.version = 14 : i64} {
  func.func @_main_body(%arg0: i32, %arg1: i32, %arg2: memref<64xi32, #tpu.memory_space<smem>>, %arg3: memref<1x256x1024xf32, #tpu.memory_space<vmem>>, %arg4: memref<1024x1536xbf16, #tpu.memory_space<vmem>>, %arg5: memref<1792x1536xf32, #tpu.memory_space<vmem>>, %arg6: memref<64x2378x1536xf32, #tpu.memory_space<hbm>>, %arg7: memref<1x256x1536xf32, #tpu.memory_space<vmem>>) attributes {dimension_semantics = [#tpu.dimension_semantics<parallel>, #tpu.dimension_semantics<arbitrary>], iteration_bounds = array<i64: 32, 8>, scalar_prefetch = 1 : i64, scratch_operands = 0 : i64, tpu.core_type = #tpu.core_type<tc>, window_params = [{transform_indices = @transform_0, window_bounds = array<i64: 1, 256, 1024>}, {pipeline_mode = #tpu.pipeline_mode<synchronous>, transform_indices = @transform_1, window_bounds = array<i64: 1024, 1536>}, {pipeline_mode = #tpu.pipeline_mode<synchronous>, transform_indices = @transform_2, window_bounds = array<i64: 1792, 1536>}, {}, {transform_indices = @transform_4, window_bounds = array<i64: 1, 256, 1536>}]} {
    %add3A = arith.constant 0 : i32
    %add3A_0 = arith.addi %arg0, %add3A : i32
    %get3A = arith.index_cast %add3A_0 : i32 to index
    %get3A_1 = memref.load %arg2[%get3A] : memref<64xi32, #tpu.memory_space<smem>>
    %eq3A = arith.constant 7 : i32
    %eq3A_2 = arith.cmpi eq, %arg1, %eq3A : i32
    %mul3A = arith.constant 256 : i32
    %mul3A_3 = arith.muli %arg1, %mul3A : i32
    %jit3A = arith.constant 2304 : i32
    %select_n3A = arith.select %eq3A_2, %jit3A, %mul3A_3 : i32
    %lt3A = arith.cmpi slt, %select_n3A, %get3A_1 : i32
    %convert_element_type3A = arith.extui %lt3A : i1 to i32
    %cond3A = arith.constant 0 : i32
    %cond3A_4 = arith.cmpi ne, %convert_element_type3A, %cond3A : i32
    scf.if %cond3A_4 {
      %get3A_8 = arith.constant 0 : index
      %get3A_9 = arith.constant 0 : index
      %get3A_10 = arith.constant 0 : index
      %get3A_11 = vector.load %arg3[%get3A_8, %get3A_9, %get3A_10] : memref<1x256x1024xf32, #tpu.memory_space<vmem>>, vector<1x256x1024xf32>
      %get3A_12 = vector.shape_cast %get3A_11 : vector<1x256x1024xf32> to vector<256x1024xf32>
      %convert_element_type3A_13 = arith.truncf %get3A_12 : vector<256x1024xf32> to vector<256x1024xbf16>
      %get3A_14 = arith.constant 0 : index
      %get3A_15 = arith.constant 0 : index
      %get3A_16 = vector.load %arg4[%get3A_14, %get3A_15] : memref<1024x1536xbf16, #tpu.memory_space<vmem>>, vector<1024x1536xbf16>
      %dot_general3A = arith.constant dense<0.000000e+00> : vector<256x1536xf32>
      %dot_general3A_17 = tpu.matmul %convert_element_type3A_13, %get3A_16, %dot_general3A {dimension_numbers = #tpu.dot_dimension_numbers<[1], [0], [0], [1], [0, 0, 1, 1], [], []>, transpose_lhs_hint = false} : vector<256x1024xbf16>, vector<1024x1536xbf16>, vector<256x1536xf32> -> vector<256x1536xf32>
      %get3A_18 = arith.index_cast %select_n3A : i32 to index
      %get3A_19 = arith.constant 0 : index
      %get3A_20 = vector.load %arg5[%get3A_18, %get3A_19] : memref<1792x1536xf32, #tpu.memory_space<vmem>>, vector<256x1536xf32>
      %add3A_21 = arith.addf %dot_general3A_17, %get3A_20 : vector<256x1536xf32>
      %iota3A = tpu.iota {dimensions = array<i32: 0>} : vector<256x1xi32>
      %add3A_22 = vector.broadcast %select_n3A : i32 to vector<256x1xi32>
      %add3A_23 = arith.addi %add3A_22, %iota3A : vector<256x1xi32>
      %lt3A_24 = vector.broadcast %get3A_1 : i32 to vector<256x1xi32>
      %lt3A_25 = arith.cmpi slt, %add3A_23, %lt3A_24 : vector<256x1xi32>
      %jit3A_26 = arith.constant 0.000000e+00 : f32
      %broadcast_in_dim3A = vector.shape_cast %lt3A_25 : vector<256x1xi1> to vector<256x1xi1>
      %broadcast_in_dim3A_27 = vector.broadcast %broadcast_in_dim3A : vector<256x1xi1> to vector<256x1536xi1>
      %broadcast_in_dim3A_28 = vector.broadcast %jit3A_26 : f32 to vector<256x1536xf32>
      %select_n3A_29 = arith.select %broadcast_in_dim3A_27, %add3A_21, %broadcast_in_dim3A_28 : vector<256x1536xi1>, vector<256x1536xf32>
      %swap3A = arith.constant 0 : index
      %swap3A_30 = arith.constant 0 : index
      %swap3A_31 = arith.constant 0 : index
      %swap3A_32 = vector.load %arg7[%swap3A, %swap3A_30, %swap3A_31] : memref<1x256x1536xf32, #tpu.memory_space<vmem>>, vector<1x256x1536xf32>
      %swap3A_33 = vector.shape_cast %swap3A_32 : vector<1x256x1536xf32> to vector<256x1536xf32>
      %swap3A_34 = vector.shape_cast %select_n3A_29 : vector<256x1536xf32> to vector<1x256x1536xf32>
      tpu.vector_store %arg7[%swap3A, %swap3A_30, %swap3A_31], %swap3A_34 {strides = array<i32>} : memref<1x256x1536xf32, #tpu.memory_space<vmem>>, vector<1x256x1536xf32>,
    } else {
    }
    %ge3A = arith.cmpi sge, %select_n3A, %get3A_1 : i32
    %convert_element_type3A_5 = arith.extui %ge3A : i1 to i32
    %cond3A_6 = arith.constant 0 : i32
    %cond3A_7 = arith.cmpi ne, %convert_element_type3A_5, %cond3A_6 : i32
    scf.if %cond3A_7 {
      %broadcast_in_dim3A = arith.constant 0.000000e+00 : f32
      %broadcast_in_dim3A_8 = vector.broadcast %broadcast_in_dim3A : f32 to vector<256x1536xf32>
      %swap3A = arith.constant 0 : index
      %swap3A_9 = arith.constant 0 : index
      %swap3A_10 = arith.constant 0 : index
      %swap3A_11 = vector.load %arg7[%swap3A, %swap3A_9, %swap3A_10] : memref<1x256x1536xf32, #tpu.memory_space<vmem>>, vector<1x256x1536xf32>
      %swap3A_12 = vector.shape_cast %swap3A_11 : vector<1x256x1536xf32> to vector<256x1536xf32>
      %swap3A_13 = vector.shape_cast %broadcast_in_dim3A_8 : vector<256x1536xf32> to vector<1x256x1536xf32>
      tpu.vector_store %arg7[%swap3A, %swap3A_9, %swap3A_10], %swap3A_13 {strides = array<i32>} : memref<1x256x1536xf32, #tpu.memory_space<vmem>>, vector<1x256x1536xf32>,
    } else {
    }
    return
  }
  func.func @transform_0(%arg0: i32, %arg1: i32, %arg2: memref<64xi32, #tpu.memory_space<smem>>) -> (i32, i32, i32) {
    %add3A = arith.constant 0 : i32
    %add3A_0 = arith.addi %arg0, %add3A : i32
    %get3A = arith.index_cast %add3A_0 : i32 to index
    %get3A_1 = memref.load %arg2[%get3A] : memref<64xi32, #tpu.memory_space<smem>>
    %add3A_2 = arith.constant 256 : i32
    %add3A_3 = arith.addi %get3A_1, %add3A_2 : i32
    %sub3A = arith.constant 1 : i32
    %sub3A_4 = arith.subi %add3A_3, %sub3A : i32
    %jit3A = arith.constant 256 : i32
    %div3A = arith.divsi %sub3A_4, %jit3A : i32
    %sign3A = arith.constant 0 : i32
    %sign3A_5 = arith.cmpi sgt, %sub3A_4, %sign3A : i32
    %sign3A_6 = arith.extui %sign3A_5 : i1 to i32
    %sign3A_7 = arith.constant 0 : i32
    %sign3A_8 = arith.cmpi slt, %sub3A_4, %sign3A_7 : i32
    %sign3A_9 = arith.extui %sign3A_8 : i1 to i32
    %sign3A_10 = arith.subi %sign3A_6, %sign3A_9 : i32
    %sign3A_11 = arith.constant 0 : i32
    %sign3A_12 = arith.cmpi sgt, %jit3A, %sign3A_11 : i32
    %sign3A_13 = arith.extui %sign3A_12 : i1 to i32
    %sign3A_14 = arith.constant 0 : i32
    %sign3A_15 = arith.cmpi slt, %jit3A, %sign3A_14 : i32
    %sign3A_16 = arith.extui %sign3A_15 : i1 to i32
    %sign3A_17 = arith.subi %sign3A_13, %sign3A_16 : i32
    %ne3A = arith.cmpi ne, %sign3A_10, %sign3A_17 : i32
    %rem3A = arith.remsi %sub3A_4, %jit3A : i32
    %ne3A_18 = arith.constant 0 : i32
    %ne3A_19 = arith.cmpi ne, %rem3A, %ne3A_18 : i32
    %and3A = arith.andi %ne3A, %ne3A_19 : i1
    %sub3A_20 = arith.constant 1 : i32
    %sub3A_21 = arith.subi %div3A, %sub3A_20 : i32
    %select_n3A = arith.select %and3A, %sub3A_21, %div3A : i32
    %sub3A_22 = arith.constant 1 : i32
    %sub3A_23 = arith.subi %select_n3A, %sub3A_22 : i32
    %min3A = arith.minsi %arg1, %sub3A_23 : i32
    %c0_i32 = arith.constant 0 : i32
    %c0_i32_24 = arith.constant 0 : i32
    return %arg0, %min3A, %c0_i32 : i32, i32, i32
  }
  func.func @transform_1(%arg0: i32, %arg1: i32, %arg2: memref<64xi32, #tpu.memory_space<smem>>) -> (i32, i32) {
    %c0_i32 = arith.constant 0 : i32
    %c0_i32_0 = arith.constant 0 : i32
    %c0_i32_1 = arith.constant 0 : i32
    return %c0_i32, %c0_i32_0 : i32, i32
  }
  func.func @transform_2(%arg0: i32, %arg1: i32, %arg2: memref<64xi32, #tpu.memory_space<smem>>) -> (i32, i32) {
    %c0_i32 = arith.constant 0 : i32
    %c0_i32_0 = arith.constant 0 : i32
    %c0_i32_1 = arith.constant 0 : i32
    return %c0_i32, %c0_i32_0 : i32, i32
  }
  func.func @transform_4(%arg0: i32, %arg1: i32, %arg2: memref<64xi32, #tpu.memory_space<smem>>) -> (i32, i32, i32) {
    %add3A = arith.constant 0 : i32
    %add3A_0 = arith.addi %arg0, %add3A : i32
    %lt3A = arith.constant 7 : i32
    %lt3A_1 = arith.cmpi slt, %arg1, %lt3A : i32
    %jit3A = arith.constant 9 : i32
    %select_n3A = arith.select %lt3A_1, %arg1, %jit3A : i32
    %c0_i32 = arith.constant 0 : i32
    %c0_i32_2 = arith.constant 0 : i32
    return %add3A_0, %select_n3A, %c0_i32 : i32, i32, i32
  }
}

module attributes {stable_mosaic.version = 14 : i64} {
  func.func @_main_body(%arg0: i32, %arg1: i32, %arg2: memref<64xi32, #tpu.memory_space<smem>>, %arg3: memref<1x256x1024xf32, #tpu.memory_space<vmem>>, %arg4: memref<1024x1536xbf16, #tpu.memory_space<vmem>>, %arg5: memref<1792x1536xf32, #tpu.memory_space<vmem>>, %arg6: memref<64x2378x1536xf32, #tpu.memory_space<hbm>>, %arg7: memref<1x256x1536xf32, #tpu.memory_space<vmem>>) attributes {dimension_semantics = [#tpu.dimension_semantics<parallel>, #tpu.dimension_semantics<arbitrary>], iteration_bounds = array<i64: 32, 8>, scalar_prefetch = 1 : i64, scratch_operands = 0 : i64, tpu.core_type = #tpu.core_type<tc>, window_params = [{transform_indices = @transform_0, window_bounds = array<i64: 1, 256, 1024>}, {pipeline_mode = #tpu.pipeline_mode<synchronous>, transform_indices = @transform_1, window_bounds = array<i64: 1024, 1536>}, {pipeline_mode = #tpu.pipeline_mode<synchronous>, transform_indices = @transform_2, window_bounds = array<i64: 1792, 1536>}, {}, {transform_indices = @transform_4, window_bounds = array<i64: 1, 256, 1536>}]} {
    %add3A = arith.constant 32 : i32
    %add3A_0 = arith.addi %arg0, %add3A : i32
    %get3A = arith.index_cast %add3A_0 : i32 to index
    %get3A_1 = memref.load %arg2[%get3A] : memref<64xi32, #tpu.memory_space<smem>>
    %eq3A = arith.constant 7 : i32
    %eq3A_2 = arith.cmpi eq, %arg1, %eq3A : i32
    %mul3A = arith.constant 256 : i32
    %mul3A_3 = arith.muli %arg1, %mul3A : i32
    %jit3A = arith.constant 2304 : i32
    %select_n3A = arith.select %eq3A_2, %jit3A, %mul3A_3 : i32
    %lt3A = arith.cmpi slt, %select_n3A, %get3A_1 : i32
    %convert_element_type3A = arith.extui %lt3A : i1 to i32
    %cond3A = arith.constant 0 : i32
    %cond3A_4 = arith.cmpi ne, %convert_element_type3A, %cond3A : i32
    scf.if %cond3A_4 {
      %get3A_8 = arith.constant 0 : index
      %get3A_9 = arith.constant 0 : index
      %get3A_10 = arith.constant 0 : index
      %get3A_11 = vector.load %arg3[%get3A_8, %get3A_9, %get3A_10] : memref<1x256x1024xf32, #tpu.memory_space<vmem>>, vector<1x256x1024xf32>
      %get3A_12 = vector.shape_cast %get3A_11 : vector<1x256x1024xf32> to vector<256x1024xf32>
      %convert_element_type3A_13 = arith.truncf %get3A_12 : vector<256x1024xf32> to vector<256x1024xbf16>
      %get3A_14 = arith.constant 0 : index
      %get3A_15 = arith.constant 0 : index
      %get3A_16 = vector.load %arg4[%get3A_14, %get3A_15] : memref<1024x1536xbf16, #tpu.memory_space<vmem>>, vector<1024x1536xbf16>
      %dot_general3A = arith.constant dense<0.000000e+00> : vector<256x1536xf32>
      %dot_general3A_17 = tpu.matmul %convert_element_type3A_13, %get3A_16, %dot_general3A {dimension_numbers = #tpu.dot_dimension_numbers<[1], [0], [0], [1], [0, 0, 1, 1], [], []>, transpose_lhs_hint = false} : vector<256x1024xbf16>, vector<1024x1536xbf16>, vector<256x1536xf32> -> vector<256x1536xf32>
      %get3A_18 = arith.index_cast %select_n3A : i32 to index
      %get3A_19 = arith.constant 0 : index
      %get3A_20 = vector.load %arg5[%get3A_18, %get3A_19] : memref<1792x1536xf32, #tpu.memory_space<vmem>>, vector<256x1536xf32>
      %add3A_21 = arith.addf %dot_general3A_17, %get3A_20 : vector<256x1536xf32>
      %iota3A = tpu.iota {dimensions = array<i32: 0>} : vector<256x1xi32>
      %add3A_22 = vector.broadcast %select_n3A : i32 to vector<256x1xi32>
      %add3A_23 = arith.addi %add3A_22, %iota3A : vector<256x1xi32>
      %lt3A_24 = vector.broadcast %get3A_1 : i32 to vector<256x1xi32>
      %lt3A_25 = arith.cmpi slt, %add3A_23, %lt3A_24 : vector<256x1xi32>
      %jit3A_26 = arith.constant 0.000000e+00 : f32
      %broadcast_in_dim3A = vector.shape_cast %lt3A_25 : vector<256x1xi1> to vector<256x1xi1>
      %broadcast_in_dim3A_27 = vector.broadcast %broadcast_in_dim3A : vector<256x1xi1> to vector<256x1536xi1>
      %broadcast_in_dim3A_28 = vector.broadcast %jit3A_26 : f32 to vector<256x1536xf32>
      %select_n3A_29 = arith.select %broadcast_in_dim3A_27, %add3A_21, %broadcast_in_dim3A_28 : vector<256x1536xi1>, vector<256x1536xf32>
      %swap3A = arith.constant 0 : index
      %swap3A_30 = arith.constant 0 : index
      %swap3A_31 = arith.constant 0 : index
      %swap3A_32 = vector.load %arg7[%swap3A, %swap3A_30, %swap3A_31] : memref<1x256x1536xf32, #tpu.memory_space<vmem>>, vector<1x256x1536xf32>
      %swap3A_33 = vector.shape_cast %swap3A_32 : vector<1x256x1536xf32> to vector<256x1536xf32>
      %swap3A_34 = vector.shape_cast %select_n3A_29 : vector<256x1536xf32> to vector<1x256x1536xf32>
      tpu.vector_store %arg7[%swap3A, %swap3A_30, %swap3A_31], %swap3A_34 {strides = array<i32>} : memref<1x256x1536xf32, #tpu.memory_space<vmem>>, vector<1x256x1536xf32>,
    } else {
    }
    %ge3A = arith.cmpi sge, %select_n3A, %get3A_1 : i32
    %convert_element_type3A_5 = arith.extui %ge3A : i1 to i32
    %cond3A_6 = arith.constant 0 : i32
    %cond3A_7 = arith.cmpi ne, %convert_element_type3A_5, %cond3A_6 : i32
    scf.if %cond3A_7 {
      %broadcast_in_dim3A = arith.constant 0.000000e+00 : f32
      %broadcast_in_dim3A_8 = vector.broadcast %broadcast_in_dim3A : f32 to vector<256x1536xf32>
      %swap3A = arith.constant 0 : index
      %swap3A_9 = arith.constant 0 : index
      %swap3A_10 = arith.constant 0 : index
      %swap3A_11 = vector.load %arg7[%swap3A, %swap3A_9, %swap3A_10] : memref<1x256x1536xf32, #tpu.memory_space<vmem>>, vector<1x256x1536xf32>
      %swap3A_12 = vector.shape_cast %swap3A_11 : vector<1x256x1536xf32> to vector<256x1536xf32>
      %swap3A_13 = vector.shape_cast %broadcast_in_dim3A_8 : vector<256x1536xf32> to vector<1x256x1536xf32>
      tpu.vector_store %arg7[%swap3A, %swap3A_9, %swap3A_10], %swap3A_13 {strides = array<i32>} : memref<1x256x1536xf32, #tpu.memory_space<vmem>>, vector<1x256x1536xf32>,
    } else {
    }
    return
  }
  func.func @transform_0(%arg0: i32, %arg1: i32, %arg2: memref<64xi32, #tpu.memory_space<smem>>) -> (i32, i32, i32) {
    %add3A = arith.constant 32 : i32
    %add3A_0 = arith.addi %arg0, %add3A : i32
    %get3A = arith.index_cast %add3A_0 : i32 to index
    %get3A_1 = memref.load %arg2[%get3A] : memref<64xi32, #tpu.memory_space<smem>>
    %add3A_2 = arith.constant 256 : i32
    %add3A_3 = arith.addi %get3A_1, %add3A_2 : i32
    %sub3A = arith.constant 1 : i32
    %sub3A_4 = arith.subi %add3A_3, %sub3A : i32
    %jit3A = arith.constant 256 : i32
    %div3A = arith.divsi %sub3A_4, %jit3A : i32
    %sign3A = arith.constant 0 : i32
    %sign3A_5 = arith.cmpi sgt, %sub3A_4, %sign3A : i32
    %sign3A_6 = arith.extui %sign3A_5 : i1 to i32
    %sign3A_7 = arith.constant 0 : i32
    %sign3A_8 = arith.cmpi slt, %sub3A_4, %sign3A_7 : i32
    %sign3A_9 = arith.extui %sign3A_8 : i1 to i32
    %sign3A_10 = arith.subi %sign3A_6, %sign3A_9 : i32
    %sign3A_11 = arith.constant 0 : i32
    %sign3A_12 = arith.cmpi sgt, %jit3A, %sign3A_11 : i32
    %sign3A_13 = arith.extui %sign3A_12 : i1 to i32
    %sign3A_14 = arith.constant 0 : i32
    %sign3A_15 = arith.cmpi slt, %jit3A, %sign3A_14 : i32
    %sign3A_16 = arith.extui %sign3A_15 : i1 to i32
    %sign3A_17 = arith.subi %sign3A_13, %sign3A_16 : i32
    %ne3A = arith.cmpi ne, %sign3A_10, %sign3A_17 : i32
    %rem3A = arith.remsi %sub3A_4, %jit3A : i32
    %ne3A_18 = arith.constant 0 : i32
    %ne3A_19 = arith.cmpi ne, %rem3A, %ne3A_18 : i32
    %and3A = arith.andi %ne3A, %ne3A_19 : i1
    %sub3A_20 = arith.constant 1 : i32
    %sub3A_21 = arith.subi %div3A, %sub3A_20 : i32
    %select_n3A = arith.select %and3A, %sub3A_21, %div3A : i32
    %sub3A_22 = arith.constant 1 : i32
    %sub3A_23 = arith.subi %select_n3A, %sub3A_22 : i32
    %min3A = arith.minsi %arg1, %sub3A_23 : i32
    %c0_i32 = arith.constant 0 : i32
    %c0_i32_24 = arith.constant 0 : i32
    return %arg0, %min3A, %c0_i32 : i32, i32, i32
  }
  func.func @transform_1(%arg0: i32, %arg1: i32, %arg2: memref<64xi32, #tpu.memory_space<smem>>) -> (i32, i32) {
    %c0_i32 = arith.constant 0 : i32
    %c0_i32_0 = arith.constant 0 : i32
    %c0_i32_1 = arith.constant 0 : i32
    return %c0_i32, %c0_i32_0 : i32, i32
  }
  func.func @transform_2(%arg0: i32, %arg1: i32, %arg2: memref<64xi32, #tpu.memory_space<smem>>) -> (i32, i32) {
    %c0_i32 = arith.constant 0 : i32
    %c0_i32_0 = arith.constant 0 : i32
    %c0_i32_1 = arith.constant 0 : i32
    return %c0_i32, %c0_i32_0 : i32, i32
  }
  func.func @transform_4(%arg0: i32, %arg1: i32, %arg2: memref<64xi32, #tpu.memory_space<smem>>) -> (i32, i32, i32) {
    %add3A = arith.constant 32 : i32
    %add3A_0 = arith.addi %arg0, %add3A : i32
    %lt3A = arith.constant 7 : i32
    %lt3A_1 = arith.cmpi slt, %arg1, %lt3A : i32
    %jit3A = arith.constant 9 : i32
    %select_n3A = arith.select %lt3A_1, %arg1, %jit3A : i32
    %c0_i32 = arith.constant 0 : i32
    %c0_i32_2 = arith.constant 0 : i32
    return %add3A_0, %select_n3A, %c0_i32 : i32, i32, i32
  }
}

</mosaic_0001>

<sc_bundles>
// kernel: kernel.12.cloned.1.call-start
scs
__scs_entry_jumppad:
0x0: {  	(pc) =	sbr.rel $0x88, $3  }
0x1: {  	(tag) =	ssettag $0x0;
	lr =	simm.s32 $0x1  }
0x2: {  	[smem:$0x3F9C] =	sst lr;
	_ =	strace $0xD0000000  }
0x3: {  	_ = 	snop  }
0x4: {  	_ = 	snop  }
0x5: {  	_ = 	snop  }
0x6: {  	_ = 	snop  }
0x7: {  	_ = 	snop  }
__scs_overlays_trampoline_lowered:
0x8: {  	[smem:$0x3FAB] =	sst s0  }
0x9: {  	[smem:$0x3FAC] =	sst s1  }
0xa: {  	[smem:$0x3FAD] =	sst s2  }
0xb: {  	[smem:$0x3FAE] =	sst s3  }
0xc: {  	[smem:$0x3FAF] =	sst s4  }
0xd: {  	[smem:$0x3FB0] =	sst s5  }
0xe: {  	[smem:$0x3FB1] =	sst s6  }
0xf: {  	[smem:$0x3FB2] =	sst s7  }
0x10: {  	[smem:$0x3FB3] =	sst s8  }
0x11: {  	[smem:$0x3FB4] =	sst s9;
	s0 =	simm.s32 @!p0 $0x0  }
0x12: {  	s1 =	sld [smem:$0x3F9A];
	s0 =	simm.s32 @p0 $0x1  }
0x13: {  	[smem:$0x3FB5] =	sst s0;
	s0 =	simm.s32 @!p1 $0x0  }
0x14: {  	s2 =	sld [smem:$0x3F99];
	s0 =	simm.s32 @p1 $0x1  }
0x15: {  	[smem:$0x3FB6] =	sst s0;
	s0 =	simm.s32 @!p2 $0x0  }
0x16: {  	s3 =	sld [smem:$0x3FDB];
	s0 =	simm.s32 @p2 $0x1  }
0x17: {  	s4 =	simm.s32 $0x1BF5;
	[smem:$0x3FB8] =	sst s0  }
0x18: {  	s0 =	sld [smem:$0x3F9B];
	_ =	swait.ge [sflag:s4], $0x0  }
0x19: {  	s7 =	sld [smem:$0x3F9C]  }
0x1a: {  	s8 =	sadd.s32 $0xFFFFE003, lr  }
0x1b: {  	s9 =	sadd.s32 $0xFFFFFEF7, lr;
	s5 =	simm.s32 $0xFFFFFFFF;
	p2 =	slt.u32 s8, $0xFFFFF086  }
0x1c: {  	p1 =	slt.u32 s9, $0xF7A;
	s5 =	simm.s32 @!p2 $0x0  }
0x1d: {  	s5 =	simm.s32 @p1 $0x1;
	p0 =	seq.s32 s7, s2  }
0x1e: {  	s7 =	smul.u32 @!p0 $0xF7A, s2;
	p2 =	seq.s32 @!p0 s5, $0x0  }
0x1f: {  	s9 =	smul.u32 $0xF7A, s1;
	s8 =	simm.s32 @!p0 $0x1BF5;
	p2 =	por !p2, p0  }
0x20: {  	[sflag:s8] =	ssyncset.s32 @!p0 $0xFFFFF086;
	s6 =	sadd.s32 @!p0 s3, s7;
	s7 =	simm.s32 @!p0 $0x108  }
0x21: {  	s3 =	sadd.s32 s3, s9;
	s6 =	sadd.s32 @!p0 $0x88, s6;
	s7 =	simm.s32 @p2 $0x1082  }
0x22: {  	[simem:s7], [sflag:s8] =	dma.local @!p0 [hbm:s6], $0xF7A  }
0x23: {  	s9 =	sor.u32 $0xD0000000, s2;
	s6 =	simm.s32 $0x108;
	_ =	swait.ge @!p0 [sflag:s8], $0x0  }
0x24: {  	s3 =	sadd.s32 $0x88, s3;
	s6 =	simm.s32 @!p1 $0x1082;
	[sflag:s4] =	ssyncset.s32 $0xFFFFF086  }
0x25: {  	[simem:s6], [sflag:s4] =	dma.local [hbm:s3], $0xF7A  }
0x26: {  	[smem:$0x3F9C] =	sst s1;
	(tag) =	ssettag s2;
	_ =	strace s9  }
0x27: {  	s1 =	sld [smem:$0x3FAC]  }
0x28: {  	s2 =	sld [smem:$0x3FAD]  }
0x29: {  	s4 =	sld [smem:$0x3FAF]  }
0x2a: {  	p0 =	seq.s32 s5, $0x0;
	s5 =	sld [smem:$0x3FB0]  }
0x2b: {  	s6 =	sld [smem:$0x3FB1]  }
0x2c: {  	s7 =	sld [smem:$0x3FB2]  }
0x2d: {  	s3 =	simm.s32 $0x108;
	s8 =	sld [smem:$0x3FB3]  }
0x2e: {  	s3 =	simm.s32 @!p0 $0x1082;
	s9 =	sld [smem:$0x3FB4]  }
0x2f: {  	lr =	sadd.s32 s0, s3;
	s0 =	sld [smem:$0x3FAB]  }
0x30: {  	s3 =	sld [smem:$0x3FAE]  }
0x31: {  	[smem:$0x3FB7] =	sst s10  }
0x32: {  	s10 =	sld [smem:$0x3FB5];
	_ =	sdelay $0x3  }
0x33: {  	p0 =	seq.s32 s10, $0x1;
	s10 =	sld [smem:$0x3FB7];
	_ =	sdelay $0x3  }
0x34: {  	[smem:$0x3FB7] =	sst s10  }
0x35: {  	s10 =	sld [smem:$0x3FB6];
	_ =	sdelay $0x3  }
0x36: {  	p1 =	seq.s32 s10, $0x1;
	s10 =	sld [smem:$0x3FB7];
	_ =	sdelay $0x3  }
0x37: {  	[smem:$0x3FB7] =	sst s10  }
0x38: {  	s10 =	sld [smem:$0x3FB8]  }
0x39: {  	_ = 	snop;
	(pc) =	sbr.ind lr, $3  }
0x3a: {  	_ = 	snop  }
0x3b: {  	_ = 	snop  }
0x3c: {  	p2 =	seq.s32 s10, $0x1;
	s10 =	sld [smem:$0x3FB7]  }
0x3d: {  	_ =	shalt  }
0x3e: {  	_ =	shalt  }
0x3f: {  	_ =	shalt  }
0x40: {  	_ =	shalt  }
0x41: {  	_ =	shalt  }
0x42: {  	_ =	shalt  }
0x43: {  	_ =	shalt  }
0x44: {  	_ =	shalt  }
0x45: {  	_ =	shalt  }
0x46: {  	_ =	shalt  }
0x47: {  	_ =	shalt  }
0x48: {  	_ =	shalt  }
0x49: {  	_ =	shalt  }
0x4a: {  	_ =	shalt  }
0x4b: {  	_ =	shalt  }
0x4c: {  	_ =	shalt  }
0x4d: {  	_ =	shalt  }
0x4e: {  	_ =	shalt  }
0x4f: {  	_ =	shalt  }
0x50: {  	_ =	shalt  }
0x51: {  	_ =	shalt  }
0x52: {  	_ =	shalt  }
0x53: {  	_ =	shalt  }
0x54: {  	_ =	shalt  }
0x55: {  	_ =	shalt  }
0x56: {  	_ =	shalt  }
0x57: {  	_ =	shalt  }
0x58: {  	_ =	shalt  }
0x59: {  	_ =	shalt  }
0x5a: {  	_ =	shalt  }
0x5b: {  	_ =	shalt  }
0x5c: {  	_ =	shalt  }
0x5d: {  	_ =	shalt  }
0x5e: {  	_ =	shalt  }
0x5f: {  	_ =	shalt  }
0x60: {  	_ =	shalt  }
0x61: {  	_ =	shalt  }
0x62: {  	_ =	shalt  }
0x63: {  	_ =	shalt  }
0x64: {  	_ =	shalt  }
0x65: {  	_ =	shalt  }
0x66: {  	_ =	shalt  }
0x67: {  	_ =	shalt  }
0x68: {  	_ =	shalt  }
0x69: {  	_ =	shalt  }
0x6a: {  	_ =	shalt  }
0x6b: {  	_ =	shalt  }
0x6c: {  	_ =	shalt  }
0x6d: {  	_ =	shalt  }
0x6e: {  	_ =	shalt  }
0x6f: {  	_ =	shalt  }
0x70: {  	_ =	shalt  }
0x71: {  	_ =	shalt  }
0x72: {  	_ =	shalt  }
0x73: {  	_ =	shalt  }
0x74: {  	_ =	shalt  }
0x75: {  	_ =	shalt  }
0x76: {  	_ =	shalt  }
0x77: {  	_ =	shalt  }
0x78: {  	_ =	shalt  }
0x79: {  	_ =	shalt  }
0x7a: {  	_ =	shalt  }
0x7b: {  	_ =	shalt  }
0x7c: {  	_ =	shalt  }
0x7d: {  	_ =	shalt  }
0x7e: {  	_ =	shalt  }
0x7f: {  	_ =	shalt  }
0x80: {  	_ =	shalt  }
0x81: {  	_ =	shalt  }
0x82: {  	_ =	shalt  }
0x83: {  	_ =	shalt  }
0x84: {  	_ =	shalt  }
0x85: {  	_ =	shalt  }
0x86: {  	_ =	shalt  }
0x87: {  	_ =	shalt  }
.Lfunc_end0:
.L_simem_size_0:
called_computation.1_lowered:
.L_overlay_start_0:
0x88: {  	s2 =	sld [smem:$0x3FD9]  }
0x89: {  	s3 =	sld [smem:$0x3FFE];
	_ =	sdelay $0x1  }
0x8a: {  	s1 =	srdreg.scid  }
0x8b: {  	s0 =	sand.u32 $0x1, s1  }
0x8c: {  	s15 =	sshll.u32 s0, $0xA;
	s2 =	sadd.s32 s3, s2  }
0x8d: {  	s2 =	sadd.s32 s2, s15  }
0x8e: {  	[smem:$0x3FC3] =	sst s2  }
0x8f: {  	_ = 	snop  }
0x90: {  	s16 =	sld [smem:$0x3FD0];
	_ =	sdelay $0x2  }
0x91: {  	s4 =	simm.s32 $0xC;
	s5 =	simm.s32 $0x10;
	s2 =	sld [smem:$0x3FC7]  }
0x92: {  	[smem:s5], [sflag:s4] =	dma.local [hbm:s16], $0x1  }
0x93: {  	_ =	swait.eq [sflag:s4], $0x1  }
0x94: {  	[sflag:s4] =	ssyncset.done $0x0  }
0x95: {  	[sflag:s4] =	ssyncadd.s32 $0xFFFFFFFF  }
0x96: {  	s17 =	sld [smem:$0x10];
	(tm) =	ssettm $0x1  }
0x97: {  	s18 =	sld [smem:$0x3FFB];
	_ =	sdelay $0x3  }
0x98: {  	_ =	strace s18  }
0x99: {  	s3 =	sld [smem:$0x3FFC];
	_ =	sdelay $0x3  }
0x9a: {  	_ =	strace s3  }
0x9b: {  	s3 =	sld [smem:$0x3FFD];
	_ =	sdelay $0x3  }
0x9c: {  	_ =	strace s3  }
0x9d: {  	_ =	strace $0x8FFFFFFF  }
0x9e: {  	s19 =	sld [smem:$0x3FDB];
	_ =	sdelay $0x1  }
0x9f: {  	s20 =	simm.s32 $_scs_section_size  }
0xa0: {  	s6 =	simm.s32 $_size__tile_overlayer_lowered;
	s7 =	simm.s32 $_tile_overlayer_lowered  }
0xa1: {  	s8 =	simm.s32 $0x1BFF;
	s21 =	sshll.u32 s7, $0x1;
	s5 =	sadd.s32 s20, s19  }
0xa2: {  	s22 =	simm.s32 $0x0;
	s6 =	sshll.u32 s6, $0x1;
	s7 =	sadd.s32 s21, s5  }
0xa3: {  	[timem:s22], [sflag:s8] =	dma.local [hbm:s7], s6  }
0xa4: {  	_ =	swait.ge [sflag:s8], s6  }
0xa5: {  	s6 =	ssub.s32 $0x0, s6;
	[sflag:s8] =	ssyncset.done $0x0  }
0xa6: {  	[sflag:s8] =	ssyncadd.s32 s6;
	_ =	sdelay $0x1  }
0xa7: {  	s23 =	simm.s32 $0x1B8B  }
0xa8: {  	_ =	swait.ge [sflag:s23], $0x1  }
0xa9: {  	[sflag:s23] =	ssyncset.done $0x0  }
0xaa: {  	[sflag:s23] =	ssyncadd.s32 $0xFFFFFFFF  }
0xab: {  	s6 =	sld [smem:$0x0]  }
0xac: {  	s7 =	sand.u32 $0xFFFFFFFE, s1  }
0xad: {  	p0 =	sne.s32 s1, s7  }
0xae: {  	s7 =	sshll.u32 @p0 s7, $0xE  }
0xaf: {  	s7 =	sadd.s32 @p0 $0x11B8D, s7;
	s8 =	sshll.u32 @p0 s6, $0x11  }
0xb0: {  	s7 =	sor.u32 @p0 s8, s7  }
0xb1: {  	[sflag:s7] =	ssyncadd.remote.s32 @p0 $0x1;
	_ =	sdelay $0x1  }
0xb2: {  	s7 =	simm.s32 @p0 $0x1B8D  }
0xb3: {  	_ =	swait.eq @p0 [sflag:s7], $0x1  }
0xb4: {  	[sflag:s7] =	ssyncadd.s32 @p0 $0xFFFFFFFF  }
0xb5: {  	s8 =	sshll.u32 @!p0 s1, $0xE  }
0xb6: {  	s8 =	sor.u32 @!p0 $0x4000, s8;
	s7 =	simm.s32 @!p0 $0x1B8D  }
0xb7: {  	s6 =	sshll.u32 @!p0 s6, $0x11;
	s8 =	sadd.s32 @!p0 $0x11B8D, s8;
	_ =	swait.eq @!p0 [sflag:s7], $0x1  }
0xb8: {  	s6 =	sor.u32 @!p0 s6, s8;
	[sflag:s7] =	ssyncadd.s32 @!p0 $0xFFFFFFFF  }
0xb9: {  	s25 =	simm.s32 $0x1B8E;
	s24 =	sld [smem:$0x3FFE];
	[sflag:s6] =	ssyncadd.remote.s32 @!p0 $0x1  }
0xba: {  	s26 =	simm.s32 $execute0_lowered;
	[smem:$0x3FD2] =	sst s25  }
0xbb: {  	s7 =	sshll.u32 s26, $0x1;
	_ =	strace $0x8000004C;
	[dreg:$0x1] =	wrdreg $0xFFFFFFFF  }
0xbc: {  	s28 =	simm.s32 $_size_execute0_lowered;
	s5 =	sadd.s32 s5, s7;
	[dreg:$0x0] =	wrdreg $0x0  }
0xbd: {  	s7 =	sshll.u32 s28, $0x1;
	[dreg:$0x2] =	wrdreg s5  }
0xbe: {  	[dreg:$0x3] =	wrdreg s7  }
0xbf: {  	[dreg:$0x4] =	wrdreg $0xC0  }
0xc0: {  	_ =	task [dreg:s22], $0x5FFFF  }
0xc1: {  	[dreg:$0x1] =	wrdreg $0xFFFFFFFF  }
0xc2: {  	[dreg:$0x0] =	wrdreg $0x60  }
0xc3: {  	[dreg:$0x2] =	wrdreg s2  }
0xc4: {  	[dreg:$0x3] =	wrdreg s24  }
0xc5: {  	[dreg:$0x4] =	wrdreg s17  }
0xc6: {  	[dreg:$0x5] =	wrdreg $0xA  }
0xc7: {  	_ =	task.clear_ibuf [dreg:s22], $0x6FFFF;
	_ =	strace $0x9000004C  }
0xc8: {  	s29 =	simm.s32 $0xA;
	_ =	strace $0x8000004E  }
0xc9: {  	_ =	swait.ge [sflag:s29], $0x1  }
0xca: {  	[sflag:s29] =	ssyncadd.s32 $0xFFFFFFFF  }
0xcb: {  	_ =	strace $0x9000004E  }
0xcc: {  	_ =	sfence  }
0xcd: {  	s30 =	sld [smem:$0x0];
	_ =	sdelay $0x2  }
0xce: {  	s31 =	sshll.u32 s1, $0xD;
	s1 =	sshrl.u32 s1, $0x2  }
0xcf: {  	s4 =	sand.u32 $0x4000, s31;
	s1 =	sadd.s32 s1, s30  }
0xd0: {  	s0 =	sor.u32 s4, s0;
	s1 =	sshll.u32 s1, $0x11  }
0xd1: {  	s0 =	sor.u32 s1, s0  }
0xd2: {  	s0 =	sadd.s32 $0x8F2B, s0  }
0xd3: {  	[sflag:s0] =	ssyncadd.remote.s32 $0x1  }
0xd4: {  	_ =	sfence.sel $0xFFFF  }
0xd5: {  	[dreg:$0x0] =	wrdreg $0xFFFFFFFF;
	(pc) =	sbr.abs _section_cstart, $3  }
0xd6: {  	[dreg:$0x1] =	wrdreg $0xFFFFFFFF  }
0xd7: {  	_ =	task.clear_ibuf [dreg:s22], $0x2FFFF;
	_ =	strace $0x9FFFFFFF  }
0xd8: {  	(tm) =	ssettm $0x7FFFFFFF  }
0xd9: {  	_ =	shalt  }
tec
execute0_lowered:
.L_overlay_start_1:
0x0: {  	(tag) =	ssettag $0x1  }
0x1: {  	s2 =	rddreg [dreg:$0x0]  }
0x2: {  	s0 =	srdreg.scid;
	s4 =	rddreg [dreg:$0x1]  }
0x3: {  	s8 =	stileid.u32;
	s6 =	rddreg [dreg:$0x2]  }
0x4: {  	s3 =	simm.s32 $0x0;
	s14 =	simm.s32 $0x2;
	s15 =	simm.s32 $0x3  }
0x5: {  	s16 =	simm.s32 $0x80;
	s20 =	simm.s32 $0xD080;
	s21 =	simm.s32 $0xD880  }
0x6: {  	s22 =	simm.s32 $0xE080;
	s28 =	simm.s32 $0x10880;
	s29 =	simm.s32 $0x11080  }
0x7: {  	s30 =	simm.s32 $0x11880;
	s31 =	simm.s32 $0x12080;
	s1 =	smul.u32 $0xA0, s8  }
0x8: {  	s13 =	simm.s32 $0x13880;
	s0 =	sand.u32 $0x1, s0;
	s25 =	smul.u32 $0x5000, s8  }
0x9: {  	[smem:$0x7FF] =	sst s3;
	s10 =	sshll.u32 s8, $0x1;
	s5 =	smul.u32 $0x50, s0  }
0xa: {  	s8 =	sadd.s32 $0x200, s2;
	s9 =	sadd.s32 $0x300, s2;
	s23 =	ssub.s32 $0x2, s0  }
0xb: {  	s0 =	smul.u32 $0x2800, s0;
	s7 =	sshrl.u32 s23, $0x1;
	s1 =	sadd.s32 s5, s1  }
0xc: {  	s24 =	ssub.s32 s23, s7;
	s7 =	sadd.s32 $0x100, s2;
	s5 =	sadd.s32 s25, s6  }
0xd: {  	s23 =	simm.s32 $0xE880;
	s25 =	simm.s32 $0xF880;
	s6 =	simm.s32 $0x0  }
0xe: {  	[dreg:$0x4] =	wrdreg s1;
	s1 =	sshrl.u32 s1, $0x3;
	s0 =	sadd.s32 s0, s5  }
.Ltmp0:
0xf: {  	s5 =	simm.s32 $0x1;
	_ =	strace $0x8000004D;
	(pc) =	sbr.rel .LBB2_1-.Ltmp0, $4  }
0x10: {  	s1 =	sadd.s32 s1, s4;
	s4 =	sadd.s32 $0x2236400, s4;
	[dreg:$0x7] =	wrdreg s0  }
0x11: {  	v2 =	vlaneseq.u32;
	s0 =	simm.s32 $0x13080;
	[dreg:$0x5] =	wrdreg s4;
	s4 =	smax.u32 s24, $0x1  }
0x12: {  	vm0 =	vmmov $0xffff;
	v1 =	vshrl.u32 v2, $0x3;
	s26 =	sadd.s32 $0x2236600, s1;
	s24 =	simm.s32 $0xF080;
	[dreg:$0x6] =	wrdreg s4  }
0x13: {  	v0 =	vand.u32 $0x7, v2;
	v2 =	vor.u32 $0x8, v2;
	v1 =	vmul.u32 $0x8, v1;
	s1 =	simm.s32 $0x12880;
	[dreg:$0x8] =	wrdreg s26;
	s26 =	simm.s32 $0x10080  }
.LBB2_5:
0x14: {  	s6 =	rddreg [dreg:$0x9]  }
0x15: {  	s4 =	rddreg [dreg:$0x6];
	s6 =	sadd.s32 $0x1, s6  }
0x16: {  	p0 =	sne.s32 s6, s4  }
.Ltmp1:
0x17: {  	_ = 	snop;
	(pc) =	sbr.rel @!p0 .LBB2_6-.Ltmp1, $1  }
0x18: {  	_ =	sdelay $0x3  }
.LBB2_1:
0x19: {  	s4 =	rddreg [dreg:$0x5];
	s19 =	simm.s32 $0x14080  }
0x1a: {  	[tilespmem:s19], [sflag:$0x2] =	stream.linear.gather [hbm4b:s4+s3], $0x20, $0x38;
	[tilespmem:$0x14100] =	vst v63  }
.Ltmp2:
0x1b: {  	[dreg:$0x9] =	wrdreg s6;
	(pc) =	sbr.rel .LBB2_2-.Ltmp2, $4  }
0x1c: {  	_ =	swait.ge [sflag:s14], $0x20  }
0x1d: {  	s11 =	rddreg [dreg:$0x4]  }
0x1e: {  	s6 =	smov.u32 s10;
	[sflag:s14] =	ssyncset.done $0x0;
	s12 =	rddreg [dreg:$0x8]  }
0x1f: {  	s18 =	simm.s32 $0x0;
	s17 =	rddreg [dreg:$0x7];
	[sflag:s14] =	ssyncadd.s32 $0xFFFFFFE0  }
.LBB2_4:
0x20: {  	s18 =	sadd.s32 $0x20, s18  }
0x21: {  	p0 =	sne.s32 s18, $0x280  }
.Ltmp3:
0x22: {  	_ = 	snop;
	(pc) =	sbr.rel @!p0 .LBB2_5-.Ltmp3, $3  }
0x23: {  	_ =	sdelay $0x1  }
0x24: {  	s17 =	sadd.s32 $0x50000, s17  }
0x25: {  	s12 =	sadd.s32 $0x140, s12;
	s11 =	sadd.s32 $0xA00, s11;
	s6 =	sadd.s32 $0x20, s6  }
.LBB2_2:
0x26: {  	s4 =	sadd.s32 s18, s10  }
0x27: {  	s4 =	smulhi.u32 $0xCCCCCCCD, s4;
	_ =	sdelay $0x1  }
0x28: {  	s4 =	sshrl.u32 s4, $0x4  }
0x29: {  	v3 =	vld [tilespmem:s4+$0x14080];
	_ =	sdelay $0x4  }
0x2a: {  	(v2sf) =	vpush v3, $0x0;
	_ =	sdelay $0x9  }
0x2b: {  	s19 =	smulhi.u32 $0xCCCCCCCD, s6;
	_ =	sdelay $0x1  }
0x2c: {  	s4 =	sshrl.u32 s19, $0x4  }
0x2d: {  	s4 =	smul.u32 $0x640, s4;
	_ =	sdelay $0x1  }
0x2e: {  	s4 =	ssub.s32 s11, s4;
	s19 =	spop (v2sf)  }
0x2f: {  	p0 =	sge.s32 s4, s19  }
.Ltmp4:
0x30: {  	_ = 	snop;
	(pc) =	sbr.rel @p0 .LBB2_4-.Ltmp4, $1  }
0x31: {  	_ =	sdelay $0x3  }
0x32: {  	[tilespmem:s3], [sflag:$0x3] =	stream.linear.gather [hbm4b:s12+s3], $0x50, $0x38;
	[tilespmem:$0x14100] =	vst v63  }
0x33: {  	_ =	swait.ge [sflag:s15], $0x50  }
0x34: {  	[sflag:s15] =	ssyncset.done $0x0  }
0x35: {  	[sflag:s15] =	ssyncadd.s32 $0xFFFFFFB0  }
0x36: {  	v3 =	vld [tilespmem:$0x0];
	_ =	sdelay $0x4  }
0x37: {  	v4 =	vshll.u32 v3, $0x3  }
0x38: {  	v3 =	vand.u32 $0x7, v3;
	v4 =	vand.u32 $0xFFFFFFC0, v4  }
0x39: {  	v3 =	vor.u32 v3, v4  }
0x3a: {  	v4 =	vperm.xlane v3, v0;
	_ =	sdelay $0x1  }
0x3b: {  	v4 =	vadd.s32 v1, v4;
	_ =	sdelay $0x4  }
0x3c: {  	[tilespmem:s16], [sflag:$0x1] =	stream.indirect_vreg.gather [hbm4b:s2+s3], $0x80, v4, vm0, $0xb8;
	[tilespmem:$0x14100] =	vst v63  }
0x3d: {  	s4 =	simm.s32 $0x880;
	v3 =	vperm.xlane v3, v2  }
0x3e: {  	[tilespmem:s4], [sflag:$0x1] =	stream.indirect_vreg.gather [hbm4b:s7+s3], $0x80, v4, vm0, $0xb8;
	[tilespmem:$0x14100] =	vst v63  }
0x3f: {  	s19 =	simm.s32 $0x1080;
	v3 =	vadd.s32 v1, v3  }
0x40: {  	[tilespmem:s19], [sflag:$0x1] =	stream.indirect_vreg.gather [hbm4b:s8+s3], $0x80, v4, vm0, $0xb8;
	[tilespmem:$0x14100] =	vst v63  }
0x41: {  	s19 =	simm.s32 $0x1880  }
0x42: {  	[tilespmem:s19], [sflag:$0x1] =	stream.indirect_vreg.gather [hbm4b:s9+s3], $0x80, v4, vm0, $0xb8;
	[tilespmem:$0x14100] =	vst v63  }
0x43: {  	s19 =	simm.s32 $0x2080  }
0x44: {  	[tilespmem:s19], [sflag:$0x1] =	stream.indirect_vreg.gather [hbm4b:s2+s3], $0x80, v3, vm0, $0xb8;
	[tilespmem:$0x14100] =	vst v63  }
0x45: {  	s19 =	simm.s32 $0x2880  }
0x46: {  	[tilespmem:s19], [sflag:$0x1] =	stream.indirect_vreg.gather [hbm4b:s7+s3], $0x80, v3, vm0, $0xb8;
	[tilespmem:$0x14100] =	vst v63  }
0x47: {  	s19 =	simm.s32 $0x3080  }
0x48: {  	[tilespmem:s19], [sflag:$0x1] =	stream.indirect_vreg.gather [hbm4b:s8+s3], $0x80, v3, vm0, $0xb8;
	[tilespmem:$0x14100] =	vst v63  }
0x49: {  	s19 =	simm.s32 $0x3880  }
0x4a: {  	[tilespmem:s19], [sflag:$0x1] =	stream.indirect_vreg.gather [hbm4b:s9+s3], $0x80, v3, vm0, $0xb8;
	[tilespmem:$0x14100] =	vst v63  }
0x4b: {  	v3 =	vld [tilespmem:$0x10];
	_ =	sdelay $0x4  }
0x4c: {  	v60 =	vshll.u32 v3, $0x3  }
0x4d: {  	v3 =	vand.u32 $0x7, v3;
	v4 =	vand.u32 $0xFFFFFFC0, v60  }
0x4e: {  	v3 =	vor.u32 v3, v4  }
0x4f: {  	v4 =	vperm.xlane v3, v0;
	_ =	sdelay $0x1  }
0x50: {  	v4 =	vadd.s32 v1, v4;
	_ =	sdelay $0x3  }
0x51: {  	s19 =	simm.s32 $0x4080  }
0x52: {  	[tilespmem:s19], [sflag:$0x1] =	stream.indirect_vreg.gather [hbm4b:s2+s3], $0x80, v4, vm0, $0xb8;
	[tilespmem:$0x14100] =	vst v63  }
0x53: {  	v3 =	vperm.xlane v3, v2;
	s19 =	simm.s32 $0x4880  }
0x54: {  	[tilespmem:s19], [sflag:$0x1] =	stream.indirect_vreg.gather [hbm4b:s7+s3], $0x80, v4, vm0, $0xb8;
	[tilespmem:$0x14100] =	vst v63  }
0x55: {  	v3 =	vadd.s32 v1, v3;
	s19 =	simm.s32 $0x5080  }
0x56: {  	[tilespmem:s19], [sflag:$0x1] =	stream.indirect_vreg.gather [hbm4b:s8+s3], $0x80, v4, vm0, $0xb8;
	[tilespmem:$0x14100] =	vst v63  }
0x57: {  	s19 =	simm.s32 $0x5880  }
0x58: {  	[tilespmem:s19], [sflag:$0x1] =	stream.indirect_vreg.gather [hbm4b:s9+s3], $0x80, v4, vm0, $0xb8;
	[tilespmem:$0x14100] =	vst v63  }
0x59: {  	s19 =	simm.s32 $0x6080  }
0x5a: {  	[tilespmem:s19], [sflag:$0x1] =	stream.indirect_vreg.gather [hbm4b:s2+s3], $0x80, v3, vm0, $0xb8;
	[tilespmem:$0x14100] =	vst v63  }
0x5b: {  	s19 =	simm.s32 $0x6880  }
0x5c: {  	[tilespmem:s19], [sflag:$0x1] =	stream.indirect_vreg.gather [hbm4b:s7+s3], $0x80, v3, vm0, $0xb8;
	[tilespmem:$0x14100] =	vst v63  }
0x5d: {  	s19 =	simm.s32 $0x7080  }
0x5e: {  	[tilespmem:s19], [sflag:$0x1] =	stream.indirect_vreg.gather [hbm4b:s8+s3], $0x80, v3, vm0, $0xb8;
	[tilespmem:$0x14100] =	vst v63  }
0x5f: {  	s19 =	simm.s32 $0x7880  }
0x60: {  	[tilespmem:s19], [sflag:$0x1] =	stream.indirect_vreg.gather [hbm4b:s9+s3], $0x80, v3, vm0, $0xb8;
	[tilespmem:$0x14100] =	vst v63  }
0x61: {  	v3 =	vld [tilespmem:$0x20];
	_ =	sdelay $0x4  }
0x62: {  	v61 =	vshll.u32 v3, $0x3  }
0x63: {  	v3 =	vand.u32 $0x7, v3;
	v4 =	vand.u32 $0xFFFFFFC0, v61  }
0x64: {  	v3 =	vor.u32 v3, v4  }
0x65: {  	v4 =	vperm.xlane v3, v0;
	_ =	sdelay $0x1  }
0x66: {  	v4 =	vadd.s32 v1, v4;
	_ =	sdelay $0x3  }
0x67: {  	s19 =	simm.s32 $0x8080  }
0x68: {  	[tilespmem:s19], [sflag:$0x1] =	stream.indirect_vreg.gather [hbm4b:s2+s3], $0x80, v4, vm0, $0xb8;
	[tilespmem:$0x14100] =	vst v63  }
0x69: {  	v3 =	vperm.xlane v3, v2;
	s19 =	simm.s32 $0x8880  }
0x6a: {  	[tilespmem:s19], [sflag:$0x1] =	stream.indirect_vreg.gather [hbm4b:s7+s3], $0x80, v4, vm0, $0xb8;
	[tilespmem:$0x14100] =	vst v63  }
0x6b: {  	v3 =	vadd.s32 v1, v3;
	s19 =	simm.s32 $0x9080  }
0x6c: {  	[tilespmem:s19], [sflag:$0x1] =	stream.indirect_vreg.gather [hbm4b:s8+s3], $0x80, v4, vm0, $0xb8;
	[tilespmem:$0x14100] =	vst v63  }
0x6d: {  	s19 =	simm.s32 $0x9880  }
0x6e: {  	[tilespmem:s19], [sflag:$0x1] =	stream.indirect_vreg.gather [hbm4b:s9+s3], $0x80, v4, vm0, $0xb8;
	[tilespmem:$0x14100] =	vst v63  }
0x6f: {  	s19 =	simm.s32 $0xA080  }
0x70: {  	[tilespmem:s19], [sflag:$0x1] =	stream.indirect_vreg.gather [hbm4b:s2+s3], $0x80, v3, vm0, $0xb8;
	[tilespmem:$0x14100] =	vst v63  }
0x71: {  	s19 =	simm.s32 $0xA880  }
0x72: {  	[tilespmem:s19], [sflag:$0x1] =	stream.indirect_vreg.gather [hbm4b:s7+s3], $0x80, v3, vm0, $0xb8;
	[tilespmem:$0x14100] =	vst v63  }
0x73: {  	s19 =	simm.s32 $0xB080  }
0x74: {  	[tilespmem:s19], [sflag:$0x1] =	stream.indirect_vreg.gather [hbm4b:s8+s3], $0x80, v3, vm0, $0xb8;
	[tilespmem:$0x14100] =	vst v63  }
0x75: {  	s19 =	simm.s32 $0xB880  }
0x76: {  	[tilespmem:s19], [sflag:$0x1] =	stream.indirect_vreg.gather [hbm4b:s9+s3], $0x80, v3, vm0, $0xb8;
	[tilespmem:$0x14100] =	vst v63  }
0x77: {  	v3 =	vld [tilespmem:$0x30];
	_ =	sdelay $0x4  }
0x78: {  	v62 =	vshll.u32 v3, $0x3  }
0x79: {  	v3 =	vand.u32 $0x7, v3;
	v4 =	vand.u32 $0xFFFFFFC0, v62  }
0x7a: {  	v3 =	vor.u32 v3, v4  }
0x7b: {  	v4 =	vperm.xlane v3, v0;
	_ =	sdelay $0x1  }
0x7c: {  	v4 =	vadd.s32 v1, v4;
	_ =	sdelay $0x3  }
0x7d: {  	s19 =	simm.s32 $0xC080  }
0x7e: {  	[tilespmem:s19], [sflag:$0x1] =	stream.indirect_vreg.gather [hbm4b:s2+s3], $0x80, v4, vm0, $0xb8;
	[tilespmem:$0x14100] =	vst v63  }
0x7f: {  	v3 =	vperm.xlane v3, v2;
	s19 =	simm.s32 $0xC880  }
0x80: {  	[tilespmem:s19], [sflag:$0x1] =	stream.indirect_vreg.gather [hbm4b:s7+s3], $0x80, v4, vm0, $0xb8;
	[tilespmem:$0x14100] =	vst v63  }
0x81: {  	v3 =	vadd.s32 v1, v3  }
0x82: {  	[tilespmem:s20], [sflag:$0x1] =	stream.indirect_vreg.gather [hbm4b:s8+s3], $0x80, v4, vm0, $0xb8;
	[tilespmem:$0x14100] =	vst v63  }
0x83: {  	_ = 	snop  }
0x84: {  	[tilespmem:s21], [sflag:$0x1] =	stream.indirect_vreg.gather [hbm4b:s9+s3], $0x80, v4, vm0, $0xb8;
	[tilespmem:$0x14100] =	vst v63  }
0x85: {  	_ = 	snop  }
0x86: {  	[tilespmem:s22], [sflag:$0x1] =	stream.indirect_vreg.gather [hbm4b:s2+s3], $0x80, v3, vm0, $0xb8;
	[tilespmem:$0x14100] =	vst v63  }
0x87: {  	_ = 	snop  }
0x88: {  	[tilespmem:s23], [sflag:$0x1] =	stream.indirect_vreg.gather [hbm4b:s7+s3], $0x80, v3, vm0, $0xb8;
	[tilespmem:$0x14100] =	vst v63  }
0x89: {  	_ = 	snop  }
0x8a: {  	[tilespmem:s24], [sflag:$0x1] =	stream.indirect_vreg.gather [hbm4b:s8+s3], $0x80, v3, vm0, $0xb8;
	[tilespmem:$0x14100] =	vst v63  }
0x8b: {  	_ = 	snop  }
0x8c: {  	[tilespmem:s25], [sflag:$0x1] =	stream.indirect_vreg.gather [hbm4b:s9+s3], $0x80, v3, vm0, $0xb8;
	[tilespmem:$0x14100] =	vst v63  }
0x8d: {  	v3 =	vld [tilespmem:$0x40];
	_ =	sdelay $0x4  }
0x8e: {  	v63 =	vshll.u32 v3, $0x3  }
0x8f: {  	v3 =	vand.u32 $0x7, v3;
	v4 =	vand.u32 $0xFFFFFFC0, v63  }
0x90: {  	v3 =	vor.u32 v3, v4  }
0x91: {  	v4 =	vperm.xlane v3, v0;
	_ =	sdelay $0x1  }
0x92: {  	v4 =	vadd.s32 v1, v4;
	_ =	sdelay $0x4  }
0x93: {  	[tilespmem:s26], [sflag:$0x1] =	stream.indirect_vreg.gather [hbm4b:s2+s3], $0x80, v4, vm0, $0xb8;
	[tilespmem:$0x14100] =	vst v63  }
0x94: {  	v3 =	vperm.xlane v3, v2  }
0x95: {  	[tilespmem:s28], [sflag:$0x1] =	stream.indirect_vreg.gather [hbm4b:s7+s3], $0x80, v4, vm0, $0xb8;
	[tilespmem:$0x14100] =	vst v63  }
0x96: {  	v3 =	vadd.s32 v1, v3  }
0x97: {  	[tilespmem:s29], [sflag:$0x1] =	stream.indirect_vreg.gather [hbm4b:s8+s3], $0x80, v4, vm0, $0xb8;
	[tilespmem:$0x14100] =	vst v63  }
0x98: {  	_ = 	snop  }
0x99: {  	[tilespmem:s30], [sflag:$0x1] =	stream.indirect_vreg.gather [hbm4b:s9+s3], $0x80, v4, vm0, $0xb8;
	[tilespmem:$0x14100] =	vst v63  }
0x9a: {  	_ = 	snop  }
0x9b: {  	[tilespmem:s31], [sflag:$0x1] =	stream.indirect_vreg.gather [hbm4b:s2+s3], $0x80, v3, vm0, $0xb8;
	[tilespmem:$0x14100] =	vst v63  }
0x9c: {  	_ = 	snop  }
0x9d: {  	[tilespmem:s1], [sflag:$0x1] =	stream.indirect_vreg.gather [hbm4b:s7+s3], $0x80, v3, vm0, $0xb8;
	[tilespmem:$0x14100] =	vst v63  }
0x9e: {  	_ = 	snop  }
0x9f: {  	[tilespmem:s0], [sflag:$0x1] =	stream.indirect_vreg.gather [hbm4b:s8+s3], $0x80, v3, vm0, $0xb8;
	[tilespmem:$0x14100] =	vst v63  }
0xa0: {  	_ = 	snop  }
0xa1: {  	[tilespmem:s13], [sflag:$0x1] =	stream.indirect_vreg.gather [hbm4b:s9+s3], $0x80, v3, vm0, $0xb8;
	[tilespmem:$0x14100] =	vst v63  }
0xa2: {  	_ =	swait.ge [sflag:s5], $0x14000  }
0xa3: {  	[sflag:s5] =	ssyncset.done $0x0  }
.Ltmp5:
0xa4: {  	[sflag:s5] =	ssyncadd.s32 $0xFFFEC000;
	(pc) =	sbr.rel .LBB2_4-.Ltmp5, $4  }
0xa5: {  	[hbm4b:s17+s3] =	stream.linear.scatter [tilespmem:s16], [sflag:$0x2], $0x14000, $0x38;
	[tilespmem:$0x14100] =	vst v63  }
0xa6: {  	_ =	swait.ge [sflag:s14], $0x14000  }
0xa7: {  	[sflag:s14] =	ssyncset.done $0x0  }
0xa8: {  	[sflag:s14] =	ssyncadd.s32 $0xFFFEC000  }
.LBB2_6:
0xa9: {  	_ =	sfence.sel $0x180000  }
0xaa: {  	[bflag:$0x0] =	sbarrier.arrive $0xFFFF  }
0xab: {  	_ =	strace $0x9000004D  }
0xac: {  	s0 =	stileid.u32;
	[bflag:$0x2] =	sbarrier.arrive $0xFFFF  }
0xad: {  	p0 =	sne.s32 s0, $0x0;
	s0 =	rddreg [dreg:$0x3]  }
0xae: {  	s0 =	sadd.s32 @!p0 $0x100000, s0  }
0xaf: {  	[sflag:s0] =	ssyncadd.tile.s32 @!p0 $0x1;
	_ =	shalt  }
.Lfunc_end2:
_tile_overlayer_lowered:
.L_overlay_start_2:
0xb0: {  	(tag) =	ssettag $0x2  }
0xb1: {  	s0 =	rddreg [dreg:$0x0];
	s2 =	stileid.u32  }
0xb2: {  	s1 =	rddreg [dreg:$0x1];
	p0 =	sne.s32 s2, $0x0  }
0xb3: {  	s3 =	rddreg [dreg:$0x2];
	[bflag:$0x3] =	sbarrier.arrive $0xFFFF;
	s2 =	simm.s32 @!p0 $0x1C02  }
0xb4: {  	[timem:s3], [sflag:s2] =	dma.local @!p0 [hbm:s0], s1  }
0xb5: {  	s0 =	simm.s32 @!p0 $0x2  }
0xb6: {  	_ =	swait.ge @!p0 [sflag:s0], s1  }
0xb7: {  	s1 =	ssub.s32 @!p0 $0x0, s1;
	[sflag:s0] =	ssyncset.done @!p0 $0x0  }
0xb8: {  	[sflag:s0] =	ssyncadd.s32 @!p0 s1  }
0xb9: {  	[bflag:$0x3] =	sbarrier.arrive $0xFFFF  }
0xba: {  	_ =	shalt  }

// kernel: kernel.15.cloned.1.call-start
scs
__scs_entry_jumppad:
0x0: {  	(pc) =	sbr.rel $0x88, $3  }
0x1: {  	(tag) =	ssettag $0x0;
	lr =	simm.s32 $0x1  }
0x2: {  	[smem:$0x3F9C] =	sst lr;
	_ =	strace $0xD0000000  }
0x3: {  	_ = 	snop  }
0x4: {  	_ = 	snop  }
0x5: {  	_ = 	snop  }
0x6: {  	_ = 	snop  }
0x7: {  	_ = 	snop  }
__scs_overlays_trampoline_lowered:
0x8: {  	[smem:$0x3FAB] =	sst s0  }
0x9: {  	[smem:$0x3FAC] =	sst s1  }
0xa: {  	[smem:$0x3FAD] =	sst s2  }
0xb: {  	[smem:$0x3FAE] =	sst s3  }
0xc: {  	[smem:$0x3FAF] =	sst s4  }
0xd: {  	[smem:$0x3FB0] =	sst s5  }
0xe: {  	[smem:$0x3FB1] =	sst s6  }
0xf: {  	[smem:$0x3FB2] =	sst s7  }
0x10: {  	[smem:$0x3FB3] =	sst s8  }
0x11: {  	[smem:$0x3FB4] =	sst s9;
	s0 =	simm.s32 @!p0 $0x0  }
0x12: {  	s1 =	sld [smem:$0x3F9A];
	s0 =	simm.s32 @p0 $0x1  }
0x13: {  	[smem:$0x3FB5] =	sst s0;
	s0 =	simm.s32 @!p1 $0x0  }
0x14: {  	s2 =	sld [smem:$0x3F99];
	s0 =	simm.s32 @p1 $0x1  }
0x15: {  	[smem:$0x3FB6] =	sst s0;
	s0 =	simm.s32 @!p2 $0x0  }
0x16: {  	s3 =	sld [smem:$0x3FDB];
	s0 =	simm.s32 @p2 $0x1  }
0x17: {  	s4 =	simm.s32 $0x1BF5;
	[smem:$0x3FB8] =	sst s0  }
0x18: {  	s0 =	sld [smem:$0x3F9B];
	_ =	swait.ge [sflag:s4], $0x0  }
0x19: {  	s7 =	sld [smem:$0x3F9C]  }
0x1a: {  	s8 =	sadd.s32 $0xFFFFE003, lr  }
0x1b: {  	s9 =	sadd.s32 $0xFFFFFEF7, lr;
	s5 =	simm.s32 $0xFFFFFFFF;
	p2 =	slt.u32 s8, $0xFFFFF086  }
0x1c: {  	p1 =	slt.u32 s9, $0xF7A;
	s5 =	simm.s32 @!p2 $0x0  }
0x1d: {  	s5 =	simm.s32 @p1 $0x1;
	p0 =	seq.s32 s7, s2  }
0x1e: {  	s7 =	smul.u32 @!p0 $0xF7A, s2;
	p2 =	seq.s32 @!p0 s5, $0x0  }
0x1f: {  	s9 =	smul.u32 $0xF7A, s1;
	s8 =	simm.s32 @!p0 $0x1BF5;
	p2 =	por !p2, p0  }
0x20: {  	[sflag:s8] =	ssyncset.s32 @!p0 $0xFFFFF086;
	s6 =	sadd.s32 @!p0 s3, s7;
	s7 =	simm.s32 @!p0 $0x108  }
0x21: {  	s3 =	sadd.s32 s3, s9;
	s6 =	sadd.s32 @!p0 $0x88, s6;
	s7 =	simm.s32 @p2 $0x1082  }
0x22: {  	[simem:s7], [sflag:s8] =	dma.local @!p0 [hbm:s6], $0xF7A  }
0x23: {  	s9 =	sor.u32 $0xD0000000, s2;
	s6 =	simm.s32 $0x108;
	_ =	swait.ge @!p0 [sflag:s8], $0x0  }
0x24: {  	s3 =	sadd.s32 $0x88, s3;
	s6 =	simm.s32 @!p1 $0x1082;
	[sflag:s4] =	ssyncset.s32 $0xFFFFF086  }
0x25: {  	[simem:s6], [sflag:s4] =	dma.local [hbm:s3], $0xF7A  }
0x26: {  	[smem:$0x3F9C] =	sst s1;
	(tag) =	ssettag s2;
	_ =	strace s9  }
0x27: {  	s1 =	sld [smem:$0x3FAC]  }
0x28: {  	s2 =	sld [smem:$0x3FAD]  }
0x29: {  	s4 =	sld [smem:$0x3FAF]  }
0x2a: {  	p0 =	seq.s32 s5, $0x0;
	s5 =	sld [smem:$0x3FB0]  }
0x2b: {  	s6 =	sld [smem:$0x3FB1]  }
0x2c: {  	s7 =	sld [smem:$0x3FB2]  }
0x2d: {  	s3 =	simm.s32 $0x108;
	s8 =	sld [smem:$0x3FB3]  }
0x2e: {  	s3 =	simm.s32 @!p0 $0x1082;
	s9 =	sld [smem:$0x3FB4]  }
0x2f: {  	lr =	sadd.s32 s0, s3;
	s0 =	sld [smem:$0x3FAB]  }
0x30: {  	s3 =	sld [smem:$0x3FAE]  }
0x31: {  	[smem:$0x3FB7] =	sst s10  }
0x32: {  	s10 =	sld [smem:$0x3FB5];
	_ =	sdelay $0x3  }
0x33: {  	p0 =	seq.s32 s10, $0x1;
	s10 =	sld [smem:$0x3FB7];
	_ =	sdelay $0x3  }
0x34: {  	[smem:$0x3FB7] =	sst s10  }
0x35: {  	s10 =	sld [smem:$0x3FB6];
	_ =	sdelay $0x3  }
0x36: {  	p1 =	seq.s32 s10, $0x1;
	s10 =	sld [smem:$0x3FB7];
	_ =	sdelay $0x3  }
0x37: {  	[smem:$0x3FB7] =	sst s10  }
0x38: {  	s10 =	sld [smem:$0x3FB8]  }
0x39: {  	_ = 	snop;
	(pc) =	sbr.ind lr, $3  }
0x3a: {  	_ = 	snop  }
0x3b: {  	_ = 	snop  }
0x3c: {  	p2 =	seq.s32 s10, $0x1;
	s10 =	sld [smem:$0x3FB7]  }
0x3d: {  	_ =	shalt  }
0x3e: {  	_ =	shalt  }
0x3f: {  	_ =	shalt  }
0x40: {  	_ =	shalt  }
0x41: {  	_ =	shalt  }
0x42: {  	_ =	shalt  }
0x43: {  	_ =	shalt  }
0x44: {  	_ =	shalt  }
0x45: {  	_ =	shalt  }
0x46: {  	_ =	shalt  }
0x47: {  	_ =	shalt  }
0x48: {  	_ =	shalt  }
0x49: {  	_ =	shalt  }
0x4a: {  	_ =	shalt  }
0x4b: {  	_ =	shalt  }
0x4c: {  	_ =	shalt  }
0x4d: {  	_ =	shalt  }
0x4e: {  	_ =	shalt  }
0x4f: {  	_ =	shalt  }
0x50: {  	_ =	shalt  }
0x51: {  	_ =	shalt  }
0x52: {  	_ =	shalt  }
0x53: {  	_ =	shalt  }
0x54: {  	_ =	shalt  }
0x55: {  	_ =	shalt  }
0x56: {  	_ =	shalt  }
0x57: {  	_ =	shalt  }
0x58: {  	_ =	shalt  }
0x59: {  	_ =	shalt  }
0x5a: {  	_ =	shalt  }
0x5b: {  	_ =	shalt  }
0x5c: {  	_ =	shalt  }
0x5d: {  	_ =	shalt  }
0x5e: {  	_ =	shalt  }
0x5f: {  	_ =	shalt  }
0x60: {  	_ =	shalt  }
0x61: {  	_ =	shalt  }
0x62: {  	_ =	shalt  }
0x63: {  	_ =	shalt  }
0x64: {  	_ =	shalt  }
0x65: {  	_ =	shalt  }
0x66: {  	_ =	shalt  }
0x67: {  	_ =	shalt  }
0x68: {  	_ =	shalt  }
0x69: {  	_ =	shalt  }
0x6a: {  	_ =	shalt  }
0x6b: {  	_ =	shalt  }
0x6c: {  	_ =	shalt  }
0x6d: {  	_ =	shalt  }
0x6e: {  	_ =	shalt  }
0x6f: {  	_ =	shalt  }
0x70: {  	_ =	shalt  }
0x71: {  	_ =	shalt  }
0x72: {  	_ =	shalt  }
0x73: {  	_ =	shalt  }
0x74: {  	_ =	shalt  }
0x75: {  	_ =	shalt  }
0x76: {  	_ =	shalt  }
0x77: {  	_ =	shalt  }
0x78: {  	_ =	shalt  }
0x79: {  	_ =	shalt  }
0x7a: {  	_ =	shalt  }
0x7b: {  	_ =	shalt  }
0x7c: {  	_ =	shalt  }
0x7d: {  	_ =	shalt  }
0x7e: {  	_ =	shalt  }
0x7f: {  	_ =	shalt  }
0x80: {  	_ =	shalt  }
0x81: {  	_ =	shalt  }
0x82: {  	_ =	shalt  }
0x83: {  	_ =	shalt  }
0x84: {  	_ =	shalt  }
0x85: {  	_ =	shalt  }
0x86: {  	_ =	shalt  }
0x87: {  	_ =	shalt  }
.Lfunc_end0:
.L_simem_size_0:
called_computation.2_lowered:
.L_overlay_start_0:
0x88: {  	s2 =	sld [smem:$0x3FD9]  }
0x89: {  	s3 =	sld [smem:$0x3FFE];
	_ =	sdelay $0x1  }
0x8a: {  	s1 =	srdreg.scid  }
0x8b: {  	s0 =	sand.u32 $0x1, s1  }
0x8c: {  	s17 =	sshll.u32 s0, $0xA;
	s2 =	sadd.s32 s3, s2  }
0x8d: {  	s2 =	sadd.s32 s2, s17  }
0x8e: {  	[smem:$0x3FC3] =	sst s2  }
0x8f: {  	_ = 	snop  }
0x90: {  	(tm) =	ssettm $0x1  }
0x91: {  	s18 =	sld [smem:$0x3FFB];
	_ =	sdelay $0x3  }
0x92: {  	_ =	strace s18  }
0x93: {  	s2 =	sld [smem:$0x3FFC];
	_ =	sdelay $0x3  }
0x94: {  	_ =	strace s2  }
0x95: {  	s2 =	sld [smem:$0x3FFD];
	_ =	sdelay $0x3  }
0x96: {  	_ =	strace s2  }
0x97: {  	_ =	strace $0x8FFFFFFF  }
0x98: {  	s19 =	sld [smem:$0x3FDB];
	_ =	sdelay $0x1  }
0x99: {  	s20 =	simm.s32 $_scs_section_size  }
0x9a: {  	s4 =	simm.s32 $_size__tile_overlayer_lowered;
	s5 =	simm.s32 $_tile_overlayer_lowered  }
0x9b: {  	s6 =	simm.s32 $0x1BFF;
	s21 =	sshll.u32 s5, $0x1;
	s3 =	sadd.s32 s20, s19  }
0x9c: {  	s22 =	simm.s32 $0x0;
	s4 =	sshll.u32 s4, $0x1;
	s5 =	sadd.s32 s21, s3  }
0x9d: {  	[timem:s22], [sflag:s6] =	dma.local [hbm:s5], s4  }
0x9e: {  	_ =	swait.ge [sflag:s6], s4  }
0x9f: {  	s4 =	ssub.s32 $0x0, s4;
	[sflag:s6] =	ssyncset.done $0x0  }
0xa0: {  	[sflag:s6] =	ssyncadd.s32 s4;
	_ =	sdelay $0x1  }
0xa1: {  	s23 =	simm.s32 $0x1B8B  }
0xa2: {  	_ =	swait.ge [sflag:s23], $0x1  }
0xa3: {  	[sflag:s23] =	ssyncset.done $0x0  }
0xa4: {  	[sflag:s23] =	ssyncadd.s32 $0xFFFFFFFF  }
0xa5: {  	s4 =	sld [smem:$0x0]  }
0xa6: {  	s5 =	sand.u32 $0xFFFFFFFE, s1  }
0xa7: {  	p0 =	sne.s32 s1, s5  }
0xa8: {  	s5 =	sshll.u32 @p0 s5, $0xE  }
0xa9: {  	s5 =	sadd.s32 @p0 $0x11B8D, s5;
	s6 =	sshll.u32 @p0 s4, $0x11  }
0xaa: {  	s5 =	sor.u32 @p0 s6, s5  }
0xab: {  	[sflag:s5] =	ssyncadd.remote.s32 @p0 $0x1;
	_ =	sdelay $0x1  }
0xac: {  	s5 =	simm.s32 @p0 $0x1B8D  }
0xad: {  	_ =	swait.eq @p0 [sflag:s5], $0x1  }
0xae: {  	[sflag:s5] =	ssyncadd.s32 @p0 $0xFFFFFFFF  }
0xaf: {  	s6 =	sshll.u32 @!p0 s1, $0xE  }
0xb0: {  	s6 =	sor.u32 @!p0 $0x4000, s6;
	s5 =	simm.s32 @!p0 $0x1B8D  }
0xb1: {  	s4 =	sshll.u32 @!p0 s4, $0x11;
	s6 =	sadd.s32 @!p0 $0x11B8D, s6;
	_ =	swait.eq @!p0 [sflag:s5], $0x1  }
0xb2: {  	s4 =	sor.u32 @!p0 s4, s6;
	[sflag:s5] =	ssyncadd.s32 @!p0 $0xFFFFFFFF  }
0xb3: {  	s25 =	simm.s32 $0x1B8E;
	s24 =	sld [smem:$0x3FFE];
	[sflag:s4] =	ssyncadd.remote.s32 @!p0 $0x1  }
0xb4: {  	s26 =	simm.s32 $execute0_lowered;
	[smem:$0x3FD2] =	sst s25  }
0xb5: {  	s5 =	sshll.u32 s26, $0x1;
	_ =	strace $0x80000049;
	[dreg:$0x1] =	wrdreg $0xFFFFFFFF  }
0xb6: {  	s28 =	simm.s32 $_size_execute0_lowered;
	s3 =	sadd.s32 s3, s5;
	[dreg:$0x0] =	wrdreg $0x0  }
0xb7: {  	s5 =	sshll.u32 s28, $0x1;
	[dreg:$0x2] =	wrdreg s3  }
0xb8: {  	[dreg:$0x3] =	wrdreg s5  }
0xb9: {  	[dreg:$0x4] =	wrdreg $0xC0  }
0xba: {  	_ =	task [dreg:s22], $0x5FFFF  }
0xbb: {  	[dreg:$0x1] =	wrdreg $0xFFFFFFFF  }
0xbc: {  	[dreg:$0x0] =	wrdreg $0x60  }
0xbd: {  	[dreg:$0x2] =	wrdreg s24  }
0xbe: {  	[dreg:$0x3] =	wrdreg $0xB  }
0xbf: {  	_ =	task.clear_ibuf [dreg:s22], $0x4FFFF;
	_ =	strace $0x90000049  }
0xc0: {  	s29 =	simm.s32 $0xB;
	_ =	strace $0x8000004B  }
0xc1: {  	_ =	swait.ge [sflag:s29], $0x1  }
0xc2: {  	[sflag:s29] =	ssyncadd.s32 $0xFFFFFFFF  }
0xc3: {  	_ =	strace $0x9000004B  }
0xc4: {  	_ =	sfence  }
0xc5: {  	s30 =	sld [smem:$0x0];
	_ =	sdelay $0x2  }
0xc6: {  	s31 =	sshll.u32 s1, $0xD;
	s1 =	sshrl.u32 s1, $0x2  }
0xc7: {  	s4 =	sand.u32 $0x4000, s31;
	s1 =	sadd.s32 s1, s30  }
0xc8: {  	s0 =	sor.u32 s4, s0;
	s1 =	sshll.u32 s1, $0x11  }
0xc9: {  	s0 =	sor.u32 s1, s0  }
0xca: {  	s0 =	sadd.s32 $0x8F2B, s0  }
0xcb: {  	[sflag:s0] =	ssyncadd.remote.s32 $0x1  }
0xcc: {  	_ =	sfence.sel $0xFFFF  }
0xcd: {  	[dreg:$0x0] =	wrdreg $0xFFFFFFFF;
	(pc) =	sbr.abs _section_cstart, $3  }
0xce: {  	[dreg:$0x1] =	wrdreg $0xFFFFFFFF  }
0xcf: {  	_ =	task.clear_ibuf [dreg:s22], $0x2FFFF;
	_ =	strace $0x9FFFFFFF  }
0xd0: {  	(tm) =	ssettm $0x7FFFFFFF  }
0xd1: {  	_ =	shalt  }
tec
execute0_lowered:
.L_overlay_start_1:
0x0: {  	(tag) =	ssettag $0x1  }
0x1: {  	s4 =	rddreg [dreg:$0x0]  }
0x2: {  	s0 =	rddreg [dreg:$0x1];
	s1 =	simm.s32 $0x0  }
0x3: {  	s2 =	srdreg.scid;
	s9 =	simm.s32 $0x1;
	[smem:$0x7FF] =	sst s1  }
0x4: {  	s6 =	sand.u32 $0x1, s2;
	s2 =	stileid.u32;
	s3 =	sadd.s32 $0x643400, s4  }
0x5: {  	s4 =	sadd.s32 $0x646400, s4;
	_ =	strace $0x8000004A;
	s5 =	ssub.s32 $0x2, s6  }
0x6: {  	s8 =	sshll.u32 s2, $0x1;
	s31 =	sshll.u32 s2, $0x7;
	s7 =	sshrl.u32 s5, $0x1  }
0x7: {  	s30 =	sor.u32 s6, s8;
	s6 =	sshll.u32 s6, $0x6;
	s8 =	sshrl.u32 s8, $0x3  }
0x8: {  	s5 =	ssub.s32 s5, s7;
	s10 =	sand.u32 $0x7, s30;
	s7 =	sadd.s32 $0x700, s31  }
0x9: {  	s5 =	smax.u32 s5, $0x1;
	p0 =	sne.s32 s10, $0x0;
	s10 =	simm.s32 $0x0  }
.LBB2_1:
0xa: {  	[tilespmem:s1], [sflag:$0x1] =	stream.linear.gather [hbm4b:s3+s1], $0x18000, $0x38;
	[tilespmem:$0x18000] =	vst v63  }
0xb: {  	s11 =	sadd.s32 s7, s6  }
0xc: {  	p1 =	seq.s32 s11, $0x700  }
0xd: {  	p1 =	por !p0, !p1  }
0xe: {  	s12 =	simm.s32 $0x1;
	p1 =	por !p1, !p1  }
0xf: {  	s12 =	simm.s32 @!p1 $0x0  }
0x10: {  	s13 =	ssub.s32 s8, s12  }
0x11: {  	s14 =	sadd.s32 $0x0, s8;
	s13 =	sshll.u32 s13, $0x9  }
0x12: {  	s29 =	sadd.s32 $0x800, s7;
	s12 =	ssub.s32 s14, s12;
	s11 =	ssub.s32 s11, s13  }
0x13: {  	s12 =	smul.u32 $0x37E000, s12;
	s30 =	sshrl.u32 s11, $0x3;
	s11 =	sadd.s32 s29, s6  }
0x14: {  	s15 =	simm.s32 $0x1;
	s14 =	smul.u32 $0x3000, s30;
	p6 =	seq.s32 s11, $0x700  }
0x15: {  	s16 =	sadd.s32 $0x4, s8;
	_ =	swait.ge [sflag:s9], $0x18000;
	p1 =	por !p0, !p6  }
0x16: {  	[sflag:s9] =	ssyncset.done $0x0;
	s12 =	sadd.s32 s12, s14;
	p1 =	por !p1, !p1  }
0x17: {  	s14 =	sshrl.u32 s12, $0x3;
	s12 =	sadd.s32 $0x4, s8;
	s15 =	simm.s32 @!p1 $0x0  }
0x18: {  	[sflag:s9] =	ssyncadd.s32 $0xFFFE8000;
	s14 =	sadd.s32 s4, s14;
	s31 =	ssub.s32 s12, s15  }
0x19: {  	[hbm4b:s14+s1] =	stream.linear.scatter [tilespmem:s1], [sflag:$0x1], $0x18000, $0x38;
	[tilespmem:$0x18000] =	vst v63  }
0x1a: {  	s13 =	sadd.s32 $0x800, s29;
	s17 =	sshll.u32 s31, $0x9;
	s14 =	simm.s32 $0x8  }
.LBB2_2:
0x1b: {  	p1 =	sne.s32 s14, $0x3C;
	s15 =	ssub.s32 s16, s15;
	s16 =	ssub.s32 s11, s17  }
0x1c: {  	s11 =	sadd.s32 s13, s6;
	s15 =	smul.u32 $0x37E000, s15;
	s16 =	sshrl.u32 s16, $0x3  }
0x1d: {  	p2 =	seq.s32 s11, $0x700;
	s16 =	smul.u32 $0x3000, s16  }
0x1e: {  	s13 =	sadd.s32 $0x800, s13;
	p2 =	por !p0, !p2  }
0x1f: {  	s12 =	sadd.s32 $0x4, s12;
	p2 =	por !p2, !p2;
	s16 =	sadd.s32 s15, s16  }
.Ltmp0:
0x20: {  	_ =	swait.ge [sflag:s9], $0x18000;
	s15 =	simm.s32 $0x1;
	(pc) =	sbr.rel @p1 .LBB2_2-.Ltmp0, $4  }
0x21: {  	s15 =	simm.s32 @!p2 $0x0;
	s16 =	sshrl.u32 s16, $0x3;
	[sflag:s9] =	ssyncset.done $0x0  }
0x22: {  	s17 =	ssub.s32 s12, s15;
	s16 =	sadd.s32 s4, s16;
	[sflag:s9] =	ssyncadd.s32 $0xFFFE8000  }
0x23: {  	[hbm4b:s16+s1] =	stream.linear.scatter [tilespmem:s1], [sflag:$0x1], $0x18000, $0x38;
	[tilespmem:$0x18000] =	vst v63  }
0x24: {  	s16 =	sadd.s32 s14, s8;
	s17 =	sshll.u32 s17, $0x9;
	s14 =	sadd.s32 $0x4, s14  }
0x25: {  	s12 =	ssub.s32 s16, s15;
	s11 =	ssub.s32 s11, s17  }
0x26: {  	s12 =	smul.u32 $0x37E000, s12;
	s11 =	sshrl.u32 s11, $0x3  }
0x27: {  	s11 =	smul.u32 $0x3000, s11;
	_ =	sdelay $0x1  }
0x28: {  	_ =	swait.ge [sflag:s9], $0x18000;
	s10 =	sadd.s32 $0x1, s10;
	s11 =	sadd.s32 s12, s11  }
0x29: {  	[sflag:s9] =	ssyncset.done $0x0;
	p1 =	sne.s32 s10, s5;
	s11 =	sshrl.u32 s11, $0x3  }
.Ltmp1:
0x2a: {  	[sflag:s9] =	ssyncadd.s32 $0xFFFE8000;
	s11 =	sadd.s32 s4, s11;
	(pc) =	sbr.rel @p1 .LBB2_1-.Ltmp1, $4  }
0x2b: {  	[hbm4b:s11+s1] =	stream.linear.scatter [tilespmem:s1], [sflag:$0x1], $0x18000, $0x38;
	[tilespmem:$0x18000] =	vst v63  }
0x2c: {  	_ =	swait.ge [sflag:s9], $0x18000  }
0x2d: {  	[sflag:s9] =	ssyncset.done $0x0  }
0x2e: {  	[sflag:s9] =	ssyncadd.s32 $0xFFFE8000  }
0x2f: {  	_ =	sfence.sel $0x180000  }
0x30: {  	[bflag:$0x0] =	sbarrier.arrive $0xFFFF  }
0x31: {  	p0 =	sne.s32 s2, $0x0;
	_ =	strace $0x9000004A  }
0x32: {  	s0 =	sadd.s32 @!p0 $0x100000, s0;
	[bflag:$0x2] =	sbarrier.arrive $0xFFFF  }
0x33: {  	[sflag:s0] =	ssyncadd.tile.s32 @!p0 $0x1;
	_ =	shalt  }
.Lfunc_end2:
_tile_overlayer_lowered:
.L_overlay_start_2:
0x34: {  	(tag) =	ssettag $0x2  }
0x35: {  	s0 =	rddreg [dreg:$0x0];
	s2 =	stileid.u32  }
0x36: {  	s1 =	rddreg [dreg:$0x1];
	p0 =	sne.s32 s2, $0x0  }
0x37: {  	s3 =	rddreg [dreg:$0x2];
	[bflag:$0x3] =	sbarrier.arrive $0xFFFF;
	s2 =	simm.s32 @!p0 $0x1C01  }
0x38: {  	[timem:s3], [sflag:s2] =	dma.local @!p0 [hbm:s0], s1  }
0x39: {  	s0 =	simm.s32 @!p0 $0x1  }
0x3a: {  	_ =	swait.ge @!p0 [sflag:s0], s1  }
0x3b: {  	s1 =	ssub.s32 @!p0 $0x0, s1;
	[sflag:s0] =	ssyncset.done @!p0 $0x0  }
0x3c: {  	[sflag:s0] =	ssyncadd.s32 @!p0 s1  }
0x3d: {  	[bflag:$0x3] =	sbarrier.arrive $0xFFFF  }
0x3e: {  	_ =	shalt  }

// kernel: kernel.9.cloned.1.call-start
scs
__scs_entry_jumppad:
0x0: {  	(pc) =	sbr.rel $0x88, $3  }
0x1: {  	(tag) =	ssettag $0x0;
	lr =	simm.s32 $0x1  }
0x2: {  	[smem:$0x3F9C] =	sst lr;
	_ =	strace $0xD0000000  }
0x3: {  	_ = 	snop  }
0x4: {  	_ = 	snop  }
0x5: {  	_ = 	snop  }
0x6: {  	_ = 	snop  }
0x7: {  	_ = 	snop  }
__scs_overlays_trampoline_lowered:
0x8: {  	[smem:$0x3FAB] =	sst s0  }
0x9: {  	[smem:$0x3FAC] =	sst s1  }
0xa: {  	[smem:$0x3FAD] =	sst s2  }
0xb: {  	[smem:$0x3FAE] =	sst s3  }
0xc: {  	[smem:$0x3FAF] =	sst s4  }
0xd: {  	[smem:$0x3FB0] =	sst s5  }
0xe: {  	[smem:$0x3FB1] =	sst s6  }
0xf: {  	[smem:$0x3FB2] =	sst s7  }
0x10: {  	[smem:$0x3FB3] =	sst s8  }
0x11: {  	[smem:$0x3FB4] =	sst s9;
	s0 =	simm.s32 @!p0 $0x0  }
0x12: {  	s1 =	sld [smem:$0x3F9A];
	s0 =	simm.s32 @p0 $0x1  }
0x13: {  	[smem:$0x3FB5] =	sst s0;
	s0 =	simm.s32 @!p1 $0x0  }
0x14: {  	s2 =	sld [smem:$0x3F99];
	s0 =	simm.s32 @p1 $0x1  }
0x15: {  	[smem:$0x3FB6] =	sst s0;
	s0 =	simm.s32 @!p2 $0x0  }
0x16: {  	s3 =	sld [smem:$0x3FDB];
	s0 =	simm.s32 @p2 $0x1  }
0x17: {  	s4 =	simm.s32 $0x1BF5;
	[smem:$0x3FB8] =	sst s0  }
0x18: {  	s0 =	sld [smem:$0x3F9B];
	_ =	swait.ge [sflag:s4], $0x0  }
0x19: {  	s7 =	sld [smem:$0x3F9C]  }
0x1a: {  	s8 =	sadd.s32 $0xFFFFE003, lr  }
0x1b: {  	s9 =	sadd.s32 $0xFFFFFEF7, lr;
	s5 =	simm.s32 $0xFFFFFFFF;
	p2 =	slt.u32 s8, $0xFFFFF086  }
0x1c: {  	p1 =	slt.u32 s9, $0xF7A;
	s5 =	simm.s32 @!p2 $0x0  }
0x1d: {  	s5 =	simm.s32 @p1 $0x1;
	p0 =	seq.s32 s7, s2  }
0x1e: {  	s7 =	smul.u32 @!p0 $0xF7A, s2;
	p2 =	seq.s32 @!p0 s5, $0x0  }
0x1f: {  	s9 =	smul.u32 $0xF7A, s1;
	s8 =	simm.s32 @!p0 $0x1BF5;
	p2 =	por !p2, p0  }
0x20: {  	[sflag:s8] =	ssyncset.s32 @!p0 $0xFFFFF086;
	s6 =	sadd.s32 @!p0 s3, s7;
	s7 =	simm.s32 @!p0 $0x108  }
0x21: {  	s3 =	sadd.s32 s3, s9;
	s6 =	sadd.s32 @!p0 $0x88, s6;
	s7 =	simm.s32 @p2 $0x1082  }
0x22: {  	[simem:s7], [sflag:s8] =	dma.local @!p0 [hbm:s6], $0xF7A  }
0x23: {  	s9 =	sor.u32 $0xD0000000, s2;
	s6 =	simm.s32 $0x108;
	_ =	swait.ge @!p0 [sflag:s8], $0x0  }
0x24: {  	s3 =	sadd.s32 $0x88, s3;
	s6 =	simm.s32 @!p1 $0x1082;
	[sflag:s4] =	ssyncset.s32 $0xFFFFF086  }
0x25: {  	[simem:s6], [sflag:s4] =	dma.local [hbm:s3], $0xF7A  }
0x26: {  	[smem:$0x3F9C] =	sst s1;
	(tag) =	ssettag s2;
	_ =	strace s9  }
0x27: {  	s1 =	sld [smem:$0x3FAC]  }
0x28: {  	s2 =	sld [smem:$0x3FAD]  }
0x29: {  	s4 =	sld [smem:$0x3FAF]  }
0x2a: {  	p0 =	seq.s32 s5, $0x0;
	s5 =	sld [smem:$0x3FB0]  }
0x2b: {  	s6 =	sld [smem:$0x3FB1]  }
0x2c: {  	s7 =	sld [smem:$0x3FB2]  }
0x2d: {  	s3 =	simm.s32 $0x108;
	s8 =	sld [smem:$0x3FB3]  }
0x2e: {  	s3 =	simm.s32 @!p0 $0x1082;
	s9 =	sld [smem:$0x3FB4]  }
0x2f: {  	lr =	sadd.s32 s0, s3;
	s0 =	sld [smem:$0x3FAB]  }
0x30: {  	s3 =	sld [smem:$0x3FAE]  }
0x31: {  	[smem:$0x3FB7] =	sst s10  }
0x32: {  	s10 =	sld [smem:$0x3FB5];
	_ =	sdelay $0x3  }
0x33: {  	p0 =	seq.s32 s10, $0x1;
	s10 =	sld [smem:$0x3FB7];
	_ =	sdelay $0x3  }
0x34: {  	[smem:$0x3FB7] =	sst s10  }
0x35: {  	s10 =	sld [smem:$0x3FB6];
	_ =	sdelay $0x3  }
0x36: {  	p1 =	seq.s32 s10, $0x1;
	s10 =	sld [smem:$0x3FB7];
	_ =	sdelay $0x3  }
0x37: {  	[smem:$0x3FB7] =	sst s10  }
0x38: {  	s10 =	sld [smem:$0x3FB8]  }
0x39: {  	_ = 	snop;
	(pc) =	sbr.ind lr, $3  }
0x3a: {  	_ = 	snop  }
0x3b: {  	_ = 	snop  }
0x3c: {  	p2 =	seq.s32 s10, $0x1;
	s10 =	sld [smem:$0x3FB7]  }
0x3d: {  	_ =	shalt  }
0x3e: {  	_ =	shalt  }
0x3f: {  	_ =	shalt  }
0x40: {  	_ =	shalt  }
0x41: {  	_ =	shalt  }
0x42: {  	_ =	shalt  }
0x43: {  	_ =	shalt  }
0x44: {  	_ =	shalt  }
0x45: {  	_ =	shalt  }
0x46: {  	_ =	shalt  }
0x47: {  	_ =	shalt  }
0x48: {  	_ =	shalt  }
0x49: {  	_ =	shalt  }
0x4a: {  	_ =	shalt  }
0x4b: {  	_ =	shalt  }
0x4c: {  	_ =	shalt  }
0x4d: {  	_ =	shalt  }
0x4e: {  	_ =	shalt  }
0x4f: {  	_ =	shalt  }
0x50: {  	_ =	shalt  }
0x51: {  	_ =	shalt  }
0x52: {  	_ =	shalt  }
0x53: {  	_ =	shalt  }
0x54: {  	_ =	shalt  }
0x55: {  	_ =	shalt  }
0x56: {  	_ =	shalt  }
0x57: {  	_ =	shalt  }
0x58: {  	_ =	shalt  }
0x59: {  	_ =	shalt  }
0x5a: {  	_ =	shalt  }
0x5b: {  	_ =	shalt  }
0x5c: {  	_ =	shalt  }
0x5d: {  	_ =	shalt  }
0x5e: {  	_ =	shalt  }
0x5f: {  	_ =	shalt  }
0x60: {  	_ =	shalt  }
0x61: {  	_ =	shalt  }
0x62: {  	_ =	shalt  }
0x63: {  	_ =	shalt  }
0x64: {  	_ =	shalt  }
0x65: {  	_ =	shalt  }
0x66: {  	_ =	shalt  }
0x67: {  	_ =	shalt  }
0x68: {  	_ =	shalt  }
0x69: {  	_ =	shalt  }
0x6a: {  	_ =	shalt  }
0x6b: {  	_ =	shalt  }
0x6c: {  	_ =	shalt  }
0x6d: {  	_ =	shalt  }
0x6e: {  	_ =	shalt  }
0x6f: {  	_ =	shalt  }
0x70: {  	_ =	shalt  }
0x71: {  	_ =	shalt  }
0x72: {  	_ =	shalt  }
0x73: {  	_ =	shalt  }
0x74: {  	_ =	shalt  }
0x75: {  	_ =	shalt  }
0x76: {  	_ =	shalt  }
0x77: {  	_ =	shalt  }
0x78: {  	_ =	shalt  }
0x79: {  	_ =	shalt  }
0x7a: {  	_ =	shalt  }
0x7b: {  	_ =	shalt  }
0x7c: {  	_ =	shalt  }
0x7d: {  	_ =	shalt  }
0x7e: {  	_ =	shalt  }
0x7f: {  	_ =	shalt  }
0x80: {  	_ =	shalt  }
0x81: {  	_ =	shalt  }
0x82: {  	_ =	shalt  }
0x83: {  	_ =	shalt  }
0x84: {  	_ =	shalt  }
0x85: {  	_ =	shalt  }
0x86: {  	_ =	shalt  }
0x87: {  	_ =	shalt  }
.Lfunc_end0:
.L_simem_size_0:
called_computation_lowered:
.L_overlay_start_0:
0x88: {  	s2 =	sld [smem:$0x3FD9]  }
0x89: {  	s3 =	sld [smem:$0x3FFE];
	_ =	sdelay $0x1  }
0x8a: {  	s1 =	srdreg.scid  }
0x8b: {  	s0 =	sand.u32 $0x1, s1  }
0x8c: {  	s17 =	sshll.u32 s0, $0xA;
	s2 =	sadd.s32 s3, s2  }
0x8d: {  	s2 =	sadd.s32 s2, s17  }
0x8e: {  	[smem:$0x3FC3] =	sst s2  }
0x8f: {  	_ = 	snop  }
0x90: {  	s2 =	sld [smem:$0x3FC7];
	(tm) =	ssettm $0x1  }
0x91: {  	s18 =	sld [smem:$0x3FFB];
	_ =	sdelay $0x3  }
0x92: {  	_ =	strace s18  }
0x93: {  	s3 =	sld [smem:$0x3FFC];
	_ =	sdelay $0x3  }
0x94: {  	_ =	strace s3  }
0x95: {  	s3 =	sld [smem:$0x3FFD];
	_ =	sdelay $0x3  }
0x96: {  	_ =	strace s3  }
0x97: {  	_ =	strace $0x8FFFFFFF  }
0x98: {  	s19 =	sld [smem:$0x3FDB];
	_ =	sdelay $0x1  }
0x99: {  	s4 =	simm.s32 $_scs_section_size  }
0x9a: {  	s5 =	simm.s32 $_size__tile_overlayer_lowered;
	s6 =	simm.s32 $_tile_overlayer_lowered  }
0x9b: {  	s22 =	simm.s32 $0x1BFF;
	s21 =	sshll.u32 s6, $0x1;
	s3 =	sadd.s32 s4, s19  }
0x9c: {  	s7 =	simm.s32 $0x0;
	s20 =	sshll.u32 s5, $0x1;
	s5 =	sadd.s32 s21, s3  }
0x9d: {  	[timem:s7], [sflag:s22] =	dma.local [hbm:s5], s20  }
0x9e: {  	_ =	swait.ge [sflag:s22], s20  }
0x9f: {  	s4 =	ssub.s32 $0x0, s20;
	[sflag:s22] =	ssyncset.done $0x0  }
0xa0: {  	[sflag:s22] =	ssyncadd.s32 s4;
	_ =	sdelay $0x1  }
0xa1: {  	s23 =	simm.s32 $0x1B8B  }
0xa2: {  	_ =	swait.ge [sflag:s23], $0x1  }
0xa3: {  	[sflag:s23] =	ssyncset.done $0x0  }
0xa4: {  	s25 =	simm.s32 $0x1B8E;
	s24 =	sld [smem:$0x3FFE];
	[sflag:s23] =	ssyncadd.s32 $0xFFFFFFFF  }
0xa5: {  	s26 =	simm.s32 $execute0_lowered;
	[smem:$0x3FD2] =	sst s25  }
0xa6: {  	s5 =	sshll.u32 s26, $0x1;
	_ =	strace $0x80000046;
	[dreg:$0x1] =	wrdreg $0xFFFFFFFF  }
0xa7: {  	s28 =	simm.s32 $_size_execute0_lowered;
	s3 =	sadd.s32 s3, s5;
	[dreg:$0x0] =	wrdreg $0x0  }
0xa8: {  	s5 =	sshll.u32 s28, $0x1;
	[dreg:$0x2] =	wrdreg s3  }
0xa9: {  	[dreg:$0x3] =	wrdreg s5  }
0xaa: {  	[dreg:$0x4] =	wrdreg $0xC0  }
0xab: {  	_ =	task [dreg:s7], $0x5FFFF  }
0xac: {  	[dreg:$0x1] =	wrdreg $0xFFFFFFFF  }
0xad: {  	[dreg:$0x0] =	wrdreg $0x60  }
0xae: {  	[dreg:$0x2] =	wrdreg s2  }
0xaf: {  	[dreg:$0x3] =	wrdreg s24  }
0xb0: {  	[dreg:$0x4] =	wrdreg $0x9  }
0xb1: {  	_ =	task.clear_ibuf [dreg:s7], $0x5FFFF;
	_ =	strace $0x90000046  }
0xb2: {  	s29 =	simm.s32 $0x9;
	_ =	strace $0x80000048  }
0xb3: {  	_ =	swait.ge [sflag:s29], $0x1  }
0xb4: {  	[sflag:s29] =	ssyncadd.s32 $0xFFFFFFFF  }
0xb5: {  	_ =	strace $0x90000048  }
0xb6: {  	_ =	sfence  }
0xb7: {  	s30 =	sld [smem:$0x0];
	_ =	sdelay $0x2  }
0xb8: {  	s31 =	sshll.u32 s1, $0xD;
	s1 =	sshrl.u32 s1, $0x2  }
0xb9: {  	s3 =	sand.u32 $0x4000, s31;
	s1 =	sadd.s32 s1, s30  }
0xba: {  	s0 =	sor.u32 s3, s0;
	s1 =	sshll.u32 s1, $0x11  }
0xbb: {  	s0 =	sor.u32 s1, s0  }
0xbc: {  	s0 =	sadd.s32 $0x8F2B, s0  }
0xbd: {  	[sflag:s0] =	ssyncadd.remote.s32 $0x1  }
0xbe: {  	_ =	sfence.sel $0xFFFF  }
0xbf: {  	[dreg:$0x0] =	wrdreg $0xFFFFFFFF;
	(pc) =	sbr.abs _section_cstart, $3  }
0xc0: {  	[dreg:$0x1] =	wrdreg $0xFFFFFFFF  }
0xc1: {  	_ =	task.clear_ibuf [dreg:s7], $0x2FFFF;
	_ =	strace $0x9FFFFFFF  }
0xc2: {  	(tm) =	ssettm $0x7FFFFFFF  }
0xc3: {  	_ =	shalt  }
tec
execute0_lowered:
.L_overlay_start_1:
0x0: {  	(tag) =	ssettag $0x1  }
0x1: {  	s0 =	srdreg.scid;
	s2 =	rddreg [dreg:$0x0]  }
0x2: {  	s7 =	stileid.u32;
	s4 =	rddreg [dreg:$0x1];
	s3 =	simm.s32 $0x0  }
0x3: {  	s14 =	simm.s32 $0x2;
	s15 =	simm.s32 $0x3;
	s16 =	simm.s32 $0x80  }
0x4: {  	s20 =	simm.s32 $0xD080;
	s21 =	simm.s32 $0xD880;
	s28 =	simm.s32 $0x10880  }
0x5: {  	s29 =	simm.s32 $0x11080;
	s30 =	simm.s32 $0x11880;
	s31 =	simm.s32 $0x12080  }
0x6: {  	s13 =	simm.s32 $0x13880;
	s0 =	sand.u32 $0x1, s0;
	s1 =	smul.u32 $0xA0, s7  }
0x7: {  	[smem:$0x7FF] =	sst s3;
	s22 =	smul.u32 $0x5000, s7;
	s6 =	sadd.s32 $0x3200, s4  }
0x8: {  	s10 =	sshll.u32 s7, $0x1;
	s7 =	sadd.s32 $0x100, s2;
	s8 =	sadd.s32 $0x200, s2  }
0x9: {  	s9 =	sadd.s32 $0x300, s2;
	s5 =	smul.u32 $0x50, s0;
	_ =	strace $0x80000047  }
0xa: {  	[dreg:$0x4] =	wrdreg s6;
	s23 =	ssub.s32 $0x2, s0;
	s0 =	smul.u32 $0x2800, s0  }
0xb: {  	s6 =	simm.s32 $0x0;
	s24 =	sshrl.u32 s23, $0x1;
	s1 =	sadd.s32 s5, s1  }
0xc: {  	s5 =	ssub.s32 s23, s24;
	s23 =	simm.s32 $0xE880;
	s24 =	simm.s32 $0xF080  }
0xd: {  	[dreg:$0x3] =	wrdreg s1;
	s1 =	sshrl.u32 s1, $0x3;
	s25 =	smax.u32 s5, $0x1  }
.Ltmp0:
0xe: {  	s5 =	simm.s32 $0x1;
	s1 =	sadd.s32 s1, s4;
	(pc) =	sbr.rel .LBB2_1-.Ltmp0, $4  }
0xf: {  	s4 =	sadd.s32 s22, s4;
	[dreg:$0x5] =	wrdreg s25;
	s22 =	simm.s32 $0xE080  }
0x10: {  	v2 =	vlaneseq.u32;
	s25 =	simm.s32 $0xF880;
	s0 =	sadd.s32 s0, s4;
	s26 =	sadd.s32 $0x1800, s1  }
0x11: {  	vm0 =	vmmov $0xffff;
	v1 =	vshrl.u32 v2, $0x3;
	s1 =	simm.s32 $0x12880;
	s0 =	sadd.s32 $0x3400, s0;
	[dreg:$0x7] =	wrdreg s26  }
0x12: {  	v0 =	vand.u32 $0x7, v2;
	v2 =	vor.u32 $0x8, v2;
	v1 =	vmul.u32 $0x8, v1;
	s26 =	simm.s32 $0x10080;
	[dreg:$0x6] =	wrdreg s0;
	s0 =	simm.s32 $0x13080  }
.LBB2_5:
0x13: {  	s6 =	rddreg [dreg:$0x8]  }
0x14: {  	s4 =	rddreg [dreg:$0x5];
	s6 =	sadd.s32 $0x1, s6  }
0x15: {  	p0 =	sne.s32 s6, s4  }
.Ltmp1:
0x16: {  	_ = 	snop;
	(pc) =	sbr.rel @!p0 .LBB2_6-.Ltmp1, $1  }
0x17: {  	_ =	sdelay $0x3  }
.LBB2_1:
0x18: {  	s4 =	rddreg [dreg:$0x4];
	s19 =	simm.s32 $0x14080  }
0x19: {  	[tilespmem:s19], [sflag:$0x2] =	stream.linear.gather [hbm4b:s4+s3], $0x20, $0x38;
	[tilespmem:$0x14100] =	vst v63  }
.Ltmp2:
0x1a: {  	[dreg:$0x8] =	wrdreg s6;
	(pc) =	sbr.rel .LBB2_2-.Ltmp2, $4  }
0x1b: {  	_ =	swait.ge [sflag:s14], $0x20  }
0x1c: {  	s11 =	rddreg [dreg:$0x3]  }
0x1d: {  	s6 =	smov.u32 s10;
	[sflag:s14] =	ssyncset.done $0x0;
	s12 =	rddreg [dreg:$0x7]  }
0x1e: {  	s18 =	simm.s32 $0x0;
	s17 =	rddreg [dreg:$0x6];
	[sflag:s14] =	ssyncadd.s32 $0xFFFFFFE0  }
.LBB2_4:
0x1f: {  	s18 =	sadd.s32 $0x20, s18  }
0x20: {  	p0 =	sne.s32 s18, $0x280  }
.Ltmp3:
0x21: {  	_ = 	snop;
	(pc) =	sbr.rel @!p0 .LBB2_5-.Ltmp3, $3  }
0x22: {  	_ =	sdelay $0x1  }
0x23: {  	s17 =	sadd.s32 $0x50000, s17  }
0x24: {  	s12 =	sadd.s32 $0x140, s12;
	s11 =	sadd.s32 $0xA00, s11;
	s6 =	sadd.s32 $0x20, s6  }
.LBB2_2:
0x25: {  	s4 =	sadd.s32 s18, s10  }
0x26: {  	s4 =	smulhi.u32 $0xCCCCCCCD, s4;
	_ =	sdelay $0x1  }
0x27: {  	s4 =	sshrl.u32 s4, $0x4  }
0x28: {  	v3 =	vld [tilespmem:s4+$0x14080];
	_ =	sdelay $0x4  }
0x29: {  	(v2sf) =	vpush v3, $0x0;
	_ =	sdelay $0x9  }
0x2a: {  	s19 =	smulhi.u32 $0xCCCCCCCD, s6;
	_ =	sdelay $0x1  }
0x2b: {  	s4 =	sshrl.u32 s19, $0x4  }
0x2c: {  	s4 =	smul.u32 $0x640, s4;
	_ =	sdelay $0x1  }
0x2d: {  	s4 =	ssub.s32 s11, s4;
	s19 =	spop (v2sf)  }
0x2e: {  	p0 =	sge.s32 s4, s19  }
.Ltmp4:
0x2f: {  	_ = 	snop;
	(pc) =	sbr.rel @p0 .LBB2_4-.Ltmp4, $1  }
0x30: {  	_ =	sdelay $0x3  }
0x31: {  	[tilespmem:s3], [sflag:$0x3] =	stream.linear.gather [hbm4b:s12+s3], $0x50, $0x38;
	[tilespmem:$0x14100] =	vst v63  }
0x32: {  	_ =	swait.ge [sflag:s15], $0x50  }
0x33: {  	[sflag:s15] =	ssyncset.done $0x0  }
0x34: {  	[sflag:s15] =	ssyncadd.s32 $0xFFFFFFB0  }
0x35: {  	v3 =	vld [tilespmem:$0x0];
	_ =	sdelay $0x4  }
0x36: {  	v4 =	vshll.u32 v3, $0x3  }
0x37: {  	v3 =	vand.u32 $0x7, v3;
	v4 =	vand.u32 $0xFFFFFFC0, v4  }
0x38: {  	v3 =	vor.u32 v3, v4  }
0x39: {  	v4 =	vperm.xlane v3, v0;
	_ =	sdelay $0x1  }
0x3a: {  	v4 =	vadd.s32 v1, v4;
	_ =	sdelay $0x4  }
0x3b: {  	[tilespmem:s16], [sflag:$0x1] =	stream.indirect_vreg.gather [hbm4b:s2+s3], $0x80, v4, vm0, $0xb8;
	[tilespmem:$0x14100] =	vst v63  }
0x3c: {  	s4 =	simm.s32 $0x880;
	v3 =	vperm.xlane v3, v2  }
0x3d: {  	[tilespmem:s4], [sflag:$0x1] =	stream.indirect_vreg.gather [hbm4b:s7+s3], $0x80, v4, vm0, $0xb8;
	[tilespmem:$0x14100] =	vst v63  }
0x3e: {  	s19 =	simm.s32 $0x1080;
	v3 =	vadd.s32 v1, v3  }
0x3f: {  	[tilespmem:s19], [sflag:$0x1] =	stream.indirect_vreg.gather [hbm4b:s8+s3], $0x80, v4, vm0, $0xb8;
	[tilespmem:$0x14100] =	vst v63  }
0x40: {  	s19 =	simm.s32 $0x1880  }
0x41: {  	[tilespmem:s19], [sflag:$0x1] =	stream.indirect_vreg.gather [hbm4b:s9+s3], $0x80, v4, vm0, $0xb8;
	[tilespmem:$0x14100] =	vst v63  }
0x42: {  	s19 =	simm.s32 $0x2080  }
0x43: {  	[tilespmem:s19], [sflag:$0x1] =	stream.indirect_vreg.gather [hbm4b:s2+s3], $0x80, v3, vm0, $0xb8;
	[tilespmem:$0x14100] =	vst v63  }
0x44: {  	s19 =	simm.s32 $0x2880  }
0x45: {  	[tilespmem:s19], [sflag:$0x1] =	stream.indirect_vreg.gather [hbm4b:s7+s3], $0x80, v3, vm0, $0xb8;
	[tilespmem:$0x14100] =	vst v63  }
0x46: {  	s19 =	simm.s32 $0x3080  }
0x47: {  	[tilespmem:s19], [sflag:$0x1] =	stream.indirect_vreg.gather [hbm4b:s8+s3], $0x80, v3, vm0, $0xb8;
	[tilespmem:$0x14100] =	vst v63  }
0x48: {  	s19 =	simm.s32 $0x3880  }
0x49: {  	[tilespmem:s19], [sflag:$0x1] =	stream.indirect_vreg.gather [hbm4b:s9+s3], $0x80, v3, vm0, $0xb8;
	[tilespmem:$0x14100] =	vst v63  }
0x4a: {  	v3 =	vld [tilespmem:$0x10];
	_ =	sdelay $0x4  }
0x4b: {  	v60 =	vshll.u32 v3, $0x3  }
0x4c: {  	v3 =	vand.u32 $0x7, v3;
	v4 =	vand.u32 $0xFFFFFFC0, v60  }
0x4d: {  	v3 =	vor.u32 v3, v4  }
0x4e: {  	v4 =	vperm.xlane v3, v0;
	_ =	sdelay $0x1  }
0x4f: {  	v4 =	vadd.s32 v1, v4;
	_ =	sdelay $0x3  }
0x50: {  	s19 =	simm.s32 $0x4080  }
0x51: {  	[tilespmem:s19], [sflag:$0x1] =	stream.indirect_vreg.gather [hbm4b:s2+s3], $0x80, v4, vm0, $0xb8;
	[tilespmem:$0x14100] =	vst v63  }
0x52: {  	v3 =	vperm.xlane v3, v2;
	s19 =	simm.s32 $0x4880  }
0x53: {  	[tilespmem:s19], [sflag:$0x1] =	stream.indirect_vreg.gather [hbm4b:s7+s3], $0x80, v4, vm0, $0xb8;
	[tilespmem:$0x14100] =	vst v63  }
0x54: {  	v3 =	vadd.s32 v1, v3;
	s19 =	simm.s32 $0x5080  }
0x55: {  	[tilespmem:s19], [sflag:$0x1] =	stream.indirect_vreg.gather [hbm4b:s8+s3], $0x80, v4, vm0, $0xb8;
	[tilespmem:$0x14100] =	vst v63  }
0x56: {  	s19 =	simm.s32 $0x5880  }
0x57: {  	[tilespmem:s19], [sflag:$0x1] =	stream.indirect_vreg.gather [hbm4b:s9+s3], $0x80, v4, vm0, $0xb8;
	[tilespmem:$0x14100] =	vst v63  }
0x58: {  	s19 =	simm.s32 $0x6080  }
0x59: {  	[tilespmem:s19], [sflag:$0x1] =	stream.indirect_vreg.gather [hbm4b:s2+s3], $0x80, v3, vm0, $0xb8;
	[tilespmem:$0x14100] =	vst v63  }
0x5a: {  	s19 =	simm.s32 $0x6880  }
0x5b: {  	[tilespmem:s19], [sflag:$0x1] =	stream.indirect_vreg.gather [hbm4b:s7+s3], $0x80, v3, vm0, $0xb8;
	[tilespmem:$0x14100] =	vst v63  }
0x5c: {  	s19 =	simm.s32 $0x7080  }
0x5d: {  	[tilespmem:s19], [sflag:$0x1] =	stream.indirect_vreg.gather [hbm4b:s8+s3], $0x80, v3, vm0, $0xb8;
	[tilespmem:$0x14100] =	vst v63  }
0x5e: {  	s19 =	simm.s32 $0x7880  }
0x5f: {  	[tilespmem:s19], [sflag:$0x1] =	stream.indirect_vreg.gather [hbm4b:s9+s3], $0x80, v3, vm0, $0xb8;
	[tilespmem:$0x14100] =	vst v63  }
0x60: {  	v3 =	vld [tilespmem:$0x20];
	_ =	sdelay $0x4  }
0x61: {  	v61 =	vshll.u32 v3, $0x3  }
0x62: {  	v3 =	vand.u32 $0x7, v3;
	v4 =	vand.u32 $0xFFFFFFC0, v61  }
0x63: {  	v3 =	vor.u32 v3, v4  }
0x64: {  	v4 =	vperm.xlane v3, v0;
	_ =	sdelay $0x1  }
0x65: {  	v4 =	vadd.s32 v1, v4;
	_ =	sdelay $0x3  }
0x66: {  	s19 =	simm.s32 $0x8080  }
0x67: {  	[tilespmem:s19], [sflag:$0x1] =	stream.indirect_vreg.gather [hbm4b:s2+s3], $0x80, v4, vm0, $0xb8;
	[tilespmem:$0x14100] =	vst v63  }
0x68: {  	v3 =	vperm.xlane v3, v2;
	s19 =	simm.s32 $0x8880  }
0x69: {  	[tilespmem:s19], [sflag:$0x1] =	stream.indirect_vreg.gather [hbm4b:s7+s3], $0x80, v4, vm0, $0xb8;
	[tilespmem:$0x14100] =	vst v63  }
0x6a: {  	v3 =	vadd.s32 v1, v3;
	s19 =	simm.s32 $0x9080  }
0x6b: {  	[tilespmem:s19], [sflag:$0x1] =	stream.indirect_vreg.gather [hbm4b:s8+s3], $0x80, v4, vm0, $0xb8;
	[tilespmem:$0x14100] =	vst v63  }
0x6c: {  	s19 =	simm.s32 $0x9880  }
0x6d: {  	[tilespmem:s19], [sflag:$0x1] =	stream.indirect_vreg.gather [hbm4b:s9+s3], $0x80, v4, vm0, $0xb8;
	[tilespmem:$0x14100] =	vst v63  }
0x6e: {  	s19 =	simm.s32 $0xA080  }
0x6f: {  	[tilespmem:s19], [sflag:$0x1] =	stream.indirect_vreg.gather [hbm4b:s2+s3], $0x80, v3, vm0, $0xb8;
	[tilespmem:$0x14100] =	vst v63  }
0x70: {  	s19 =	simm.s32 $0xA880  }
0x71: {  	[tilespmem:s19], [sflag:$0x1] =	stream.indirect_vreg.gather [hbm4b:s7+s3], $0x80, v3, vm0, $0xb8;
	[tilespmem:$0x14100] =	vst v63  }
0x72: {  	s19 =	simm.s32 $0xB080  }
0x73: {  	[tilespmem:s19], [sflag:$0x1] =	stream.indirect_vreg.gather [hbm4b:s8+s3], $0x80, v3, vm0, $0xb8;
	[tilespmem:$0x14100] =	vst v63  }
0x74: {  	s19 =	simm.s32 $0xB880  }
0x75: {  	[tilespmem:s19], [sflag:$0x1] =	stream.indirect_vreg.gather [hbm4b:s9+s3], $0x80, v3, vm0, $0xb8;
	[tilespmem:$0x14100] =	vst v63  }
0x76: {  	v3 =	vld [tilespmem:$0x30];
	_ =	sdelay $0x4  }
0x77: {  	v62 =	vshll.u32 v3, $0x3  }
0x78: {  	v3 =	vand.u32 $0x7, v3;
	v4 =	vand.u32 $0xFFFFFFC0, v62  }
0x79: {  	v3 =	vor.u32 v3, v4  }
0x7a: {  	v4 =	vperm.xlane v3, v0;
	_ =	sdelay $0x1  }
0x7b: {  	v4 =	vadd.s32 v1, v4;
	_ =	sdelay $0x3  }
0x7c: {  	s19 =	simm.s32 $0xC080  }
0x7d: {  	[tilespmem:s19], [sflag:$0x1] =	stream.indirect_vreg.gather [hbm4b:s2+s3], $0x80, v4, vm0, $0xb8;
	[tilespmem:$0x14100] =	vst v63  }
0x7e: {  	v3 =	vperm.xlane v3, v2;
	s19 =	simm.s32 $0xC880  }
0x7f: {  	[tilespmem:s19], [sflag:$0x1] =	stream.indirect_vreg.gather [hbm4b:s7+s3], $0x80, v4, vm0, $0xb8;
	[tilespmem:$0x14100] =	vst v63  }
0x80: {  	v3 =	vadd.s32 v1, v3  }
0x81: {  	[tilespmem:s20], [sflag:$0x1] =	stream.indirect_vreg.gather [hbm4b:s8+s3], $0x80, v4, vm0, $0xb8;
	[tilespmem:$0x14100] =	vst v63  }
0x82: {  	_ = 	snop  }
0x83: {  	[tilespmem:s21], [sflag:$0x1] =	stream.indirect_vreg.gather [hbm4b:s9+s3], $0x80, v4, vm0, $0xb8;
	[tilespmem:$0x14100] =	vst v63  }
0x84: {  	_ = 	snop  }
0x85: {  	[tilespmem:s22], [sflag:$0x1] =	stream.indirect_vreg.gather [hbm4b:s2+s3], $0x80, v3, vm0, $0xb8;
	[tilespmem:$0x14100] =	vst v63  }
0x86: {  	_ = 	snop  }
0x87: {  	[tilespmem:s23], [sflag:$0x1] =	stream.indirect_vreg.gather [hbm4b:s7+s3], $0x80, v3, vm0, $0xb8;
	[tilespmem:$0x14100] =	vst v63  }
0x88: {  	_ = 	snop  }
0x89: {  	[tilespmem:s24], [sflag:$0x1] =	stream.indirect_vreg.gather [hbm4b:s8+s3], $0x80, v3, vm0, $0xb8;
	[tilespmem:$0x14100] =	vst v63  }
0x8a: {  	_ = 	snop  }
0x8b: {  	[tilespmem:s25], [sflag:$0x1] =	stream.indirect_vreg.gather [hbm4b:s9+s3], $0x80, v3, vm0, $0xb8;
	[tilespmem:$0x14100] =	vst v63  }
0x8c: {  	v3 =	vld [tilespmem:$0x40];
	_ =	sdelay $0x4  }
0x8d: {  	v63 =	vshll.u32 v3, $0x3  }
0x8e: {  	v3 =	vand.u32 $0x7, v3;
	v4 =	vand.u32 $0xFFFFFFC0, v63  }
0x8f: {  	v3 =	vor.u32 v3, v4  }
0x90: {  	v4 =	vperm.xlane v3, v0;
	_ =	sdelay $0x1  }
0x91: {  	v4 =	vadd.s32 v1, v4;
	_ =	sdelay $0x4  }
0x92: {  	[tilespmem:s26], [sflag:$0x1] =	stream.indirect_vreg.gather [hbm4b:s2+s3], $0x80, v4, vm0, $0xb8;
	[tilespmem:$0x14100] =	vst v63  }
0x93: {  	v3 =	vperm.xlane v3, v2  }
0x94: {  	[tilespmem:s28], [sflag:$0x1] =	stream.indirect_vreg.gather [hbm4b:s7+s3], $0x80, v4, vm0, $0xb8;
	[tilespmem:$0x14100] =	vst v63  }
0x95: {  	v3 =	vadd.s32 v1, v3  }
0x96: {  	[tilespmem:s29], [sflag:$0x1] =	stream.indirect_vreg.gather [hbm4b:s8+s3], $0x80, v4, vm0, $0xb8;
	[tilespmem:$0x14100] =	vst v63  }
0x97: {  	_ = 	snop  }
0x98: {  	[tilespmem:s30], [sflag:$0x1] =	stream.indirect_vreg.gather [hbm4b:s9+s3], $0x80, v4, vm0, $0xb8;
	[tilespmem:$0x14100] =	vst v63  }
0x99: {  	_ = 	snop  }
0x9a: {  	[tilespmem:s31], [sflag:$0x1] =	stream.indirect_vreg.gather [hbm4b:s2+s3], $0x80, v3, vm0, $0xb8;
	[tilespmem:$0x14100] =	vst v63  }
0x9b: {  	_ = 	snop  }
0x9c: {  	[tilespmem:s1], [sflag:$0x1] =	stream.indirect_vreg.gather [hbm4b:s7+s3], $0x80, v3, vm0, $0xb8;
	[tilespmem:$0x14100] =	vst v63  }
0x9d: {  	_ = 	snop  }
0x9e: {  	[tilespmem:s0], [sflag:$0x1] =	stream.indirect_vreg.gather [hbm4b:s8+s3], $0x80, v3, vm0, $0xb8;
	[tilespmem:$0x14100] =	vst v63  }
0x9f: {  	_ = 	snop  }
0xa0: {  	[tilespmem:s13], [sflag:$0x1] =	stream.indirect_vreg.gather [hbm4b:s9+s3], $0x80, v3, vm0, $0xb8;
	[tilespmem:$0x14100] =	vst v63  }
0xa1: {  	_ =	swait.ge [sflag:s5], $0x14000  }
0xa2: {  	[sflag:s5] =	ssyncset.done $0x0  }
.Ltmp5:
0xa3: {  	[sflag:s5] =	ssyncadd.s32 $0xFFFEC000;
	(pc) =	sbr.rel .LBB2_4-.Ltmp5, $4  }
0xa4: {  	[hbm4b:s17+s3] =	stream.linear.scatter [tilespmem:s16], [sflag:$0x2], $0x14000, $0x38;
	[tilespmem:$0x14100] =	vst v63  }
0xa5: {  	_ =	swait.ge [sflag:s14], $0x14000  }
0xa6: {  	[sflag:s14] =	ssyncset.done $0x0  }
0xa7: {  	[sflag:s14] =	ssyncadd.s32 $0xFFFEC000  }
.LBB2_6:
0xa8: {  	_ =	sfence.sel $0x180000  }
0xa9: {  	[bflag:$0x0] =	sbarrier.arrive $0xFFFF  }
0xaa: {  	_ =	strace $0x90000047  }
0xab: {  	s0 =	stileid.u32;
	[bflag:$0x2] =	sbarrier.arrive $0xFFFF  }
0xac: {  	p0 =	sne.s32 s0, $0x0;
	s0 =	rddreg [dreg:$0x2]  }
0xad: {  	s0 =	sadd.s32 @!p0 $0x100000, s0  }
0xae: {  	[sflag:s0] =	ssyncadd.tile.s32 @!p0 $0x1;
	_ =	shalt  }
.Lfunc_end2:
_tile_overlayer_lowered:
.L_overlay_start_2:
0xaf: {  	(tag) =	ssettag $0x2  }
0xb0: {  	s0 =	rddreg [dreg:$0x0];
	s2 =	stileid.u32  }
0xb1: {  	s1 =	rddreg [dreg:$0x1];
	p0 =	sne.s32 s2, $0x0  }
0xb2: {  	s3 =	rddreg [dreg:$0x2];
	[bflag:$0x3] =	sbarrier.arrive $0xFFFF;
	s2 =	simm.s32 @!p0 $0x1C02  }
0xb3: {  	[timem:s3], [sflag:s2] =	dma.local @!p0 [hbm:s0], s1  }
0xb4: {  	s0 =	simm.s32 @!p0 $0x2  }
0xb5: {  	_ =	swait.ge @!p0 [sflag:s0], s1  }
0xb6: {  	s1 =	ssub.s32 @!p0 $0x0, s1;
	[sflag:s0] =	ssyncset.done @!p0 $0x0  }
0xb7: {  	[sflag:s0] =	ssyncadd.s32 @!p0 s1  }
0xb8: {  	[bflag:$0x3] =	sbarrier.arrive $0xFFFF  }
0xb9: {  	_ =	shalt  }

</sc_bundles>
